<compile_context>
chip_gen: v7x
topology: tpu7x:2x2x1
jax: 0.10.2.dev20260603
libtpu: 0.0.44.dev20260713+nightly
codegen_flags: <defaults>
</compile_context>

<pallas_src>
import functools

import jax
from jax import lax
import jax.numpy as jnp
from jax.experimental import pallas as pl
from jax.experimental.pallas import tpu as pltpu
from jax.experimental.pallas import tpu_sc as plsc

_SCALES = (1, 5, 15, 60)

_SC_CORES = 2
_SC_SUBCORES = 16
_NBUF = 4


def _build_table(max_seq, embs, w, pe_s):
    parts = []
    for i, (emb, scale) in enumerate(zip(embs, _SCALES)):
        rep = jnp.repeat(emb, scale, axis=0)[:max_seq]
        parts.append(rep * w[i])
    return jnp.concatenate([jnp.concatenate(parts, axis=1), pe_s], axis=0)


def _sc_fused(table, x2d, idx_flat, pidx_flat, n_rows, d, chunk):
    mesh = plsc.VectorSubcoreMesh(core_axis_name="c", subcore_axis_name="s")
    n_tbl = table.shape[0]
    n_workers = _SC_CORES * _SC_SUBCORES
    per_w = n_rows // n_workers
    n_chunks = per_w // chunk
    assert per_w % chunk == 0 and n_chunks % _NBUF == 0

    @functools.partial(
        pl.kernel,
        out_type=jax.ShapeDtypeStruct((n_rows, d), x2d.dtype),
        mesh=mesh,
        scratch_types=[
            pltpu.VMEM_SHARED((n_tbl, d), table.dtype),
            pltpu.VMEM((_NBUF, chunk, d), x2d.dtype),
            pltpu.VMEM((_NBUF, chunk), jnp.int32),
            pltpu.VMEM((_NBUF, chunk), jnp.int32),
        ]
        + [pltpu.SemaphoreType.DMA] * (4 * _NBUF),
    )
    def fused_kernel(tbl_hbm, x_hbm, idx_hbm, pidx_hbm, out_hbm,
                     tbl_sh, xbuf, ibuf, pbuf, *sems):
        xsems = sems[:_NBUF]
        isems = sems[_NBUF:2 * _NBUF]
        psems = sems[2 * _NBUF:3 * _NBUF]
        osems = sems[3 * _NBUF:]

        @pl.when(lax.axis_index("s") == 0)
        def _():
            pltpu.sync_copy(tbl_hbm, tbl_sh)

        plsc.subcore_barrier()

        wid = lax.axis_index("s") * _SC_CORES + lax.axis_index("c")
        base = wid * per_w

        def start_in(j, b):
            pltpu.async_copy(x_hbm.at[pl.ds(base + j * chunk, chunk)],
                             xbuf.at[b], xsems[b])
            pltpu.async_copy(idx_hbm.at[0, pl.ds(base + j * chunk, chunk)],
                             ibuf.at[b], isems[b])
            pltpu.async_copy(pidx_hbm.at[0, pl.ds(base + j * chunk, chunk)],
                             pbuf.at[b], psems[b])

        def wait_in(b):
            pltpu.make_async_copy(x_hbm.at[pl.ds(base, chunk)],
                                  xbuf.at[b], xsems[b]).wait()
            pltpu.make_async_copy(idx_hbm.at[0, pl.ds(0, chunk)],
                                  ibuf.at[b], isems[b]).wait()
            pltpu.make_async_copy(pidx_hbm.at[0, pl.ds(0, chunk)],
                                  pbuf.at[b], psems[b]).wait()

        def drain_out(b):
            pltpu.make_async_copy(xbuf.at[b],
                                  out_hbm.at[pl.ds(base, chunk)],
                                  osems[b]).wait()

        start_in(0, 0)
        start_in(1, 1)

        @pl.loop(0, n_chunks, step=_NBUF)
        def _(j0):
            for b in range(_NBUF):
                j = j0 + b
                wait_in(b)
                pltpu.sync_copy(tbl_sh.at[ibuf.at[b]], xbuf.at[b], add=True)
                pltpu.sync_copy(tbl_sh.at[pbuf.at[b]], xbuf.at[b], add=True)
                pltpu.async_copy(xbuf.at[b],
                                 out_hbm.at[pl.ds(base + j * chunk, chunk)],
                                 osems[b])
                b2 = (b + 2) % _NBUF

                @pl.when(j >= 2)
                def _():
                    drain_out(b2)

                @pl.when(j + 2 < n_chunks)
                def _():
                    start_in(j + 2, b2)

        drain_out((n_chunks - 2) % _NBUF)
        drain_out((n_chunks - 1) % _NBUF)

    return fused_kernel(table, x2d, idx_flat, pidx_flat)


def kernel(x, time_indices, pe, emb_1, emb_5, emb_15, emb_60, temporal_importance):
    b, s, d = x.shape
    max_seq = pe.shape[0]
    table = _build_table(
        max_seq, (emb_1, emb_5, emb_15, emb_60), temporal_importance, pe[:s]
    )
    idx = time_indices.reshape(1, b * s).astype(jnp.int32)
    pe_idx = jnp.broadcast_to(
        max_seq + jnp.arange(s, dtype=jnp.int32), (b, s)
    ).reshape(1, b * s)
    out = _sc_fused(table, x.reshape(b * s, d), idx, pe_idx, b * s, d, 128)
    return out.reshape(b, s, d)

# --- scband reference (transcript-rebuilt; emitter-appended) ---
"""Pipeline reference for scband-temporal-positional-encoding-60361470378643 (READ-ONLY COPY).

The authoritative reference and input builder live on the scoring server;
editing this copy changes nothing except your own understanding.
"""

import jax, jax.numpy as jnp
import numpy as np
import math

B, S, D = 4096, 200, 128
MAX_SEQ = 1000
SCALES = [1, 5, 15, 60]
SUB = D // len(SCALES)

def setup_inputs(seed: int = 0) -> dict:
    key = jax.random.key(seed)
    ks = jax.random.split(key, 8)
    x = jax.random.normal(ks[0], (B, S, D), dtype=jnp.float32)
    time_indices = jax.random.randint(ks[1], (B, S), 0, MAX_SEQ)
    # sinusoidal pe buffer
    position = np.arange(0, MAX_SEQ, dtype=np.float32)[:, None]
    div_term = np.exp(np.arange(0, D, 2).astype(np.float32) * (-math.log(10000.0) / D))
    pe_np = np.zeros((MAX_SEQ, D), dtype=np.float32)
    pe_np[:, 0::2] = np.sin(position * div_term)
    pe_np[:, 1::2] = np.cos(position * div_term)
    pe = jnp.asarray(pe_np)
    emb_1 = jax.random.normal(ks[2], (MAX_SEQ // 1 + 1, SUB), dtype=jnp.float32)
    emb_5 = jax.random.normal(ks[3], (MAX_SEQ // 5 + 1, SUB), dtype=jnp.float32)
    emb_15 = jax.random.normal(ks[4], (MAX_SEQ // 15 + 1, SUB), dtype=jnp.float32)
    emb_60 = jax.random.normal(ks[5], (MAX_SEQ // 60 + 1, SUB), dtype=jnp.float32)
    temporal_importance = jnp.ones((len(SCALES),), dtype=jnp.float32) / len(SCALES)
    return {"x": x, "time_indices": time_indices, "pe": pe, "emb_1": emb_1, "emb_5": emb_5, "emb_15": emb_15, "emb_60": emb_60, "temporal_importance": temporal_importance}

def reference(x, time_indices, pe, emb_1, emb_5, emb_15, emb_60, temporal_importance):
    b, s, d = x.shape
    pos_encoding = jnp.broadcast_to(pe[:s, :][None, :, :], (b, s, d))
    tables = [emb_1, emb_5, emb_15, emb_60]
    parts = []
    for i, scale in enumerate(SCALES):
        scale_indices = jnp.clip(time_indices // scale, 0, MAX_SEQ // scale)
        scale_embedding = jnp.take(tables[i], scale_indices, axis=0)
        parts.append(scale_embedding * temporal_importance[i])
    multi_scale = jnp.concatenate(parts, axis=-1)
    if multi_scale.shape[-1] < d:
        padding = jnp.zeros((b, s, d - multi_scale.shape[-1]), dtype=x.dtype)
        multi_scale = jnp.concatenate([multi_scale, padding], axis=-1)
    pos_encoding = pos_encoding + multi_scale
    return x + pos_encoding

if __name__ == "__main__":
    import jax
    _d = setup_inputs()
    print(jax.jit(kernel)(*tuple(_d.values())))

</pallas_src>

<mosaic_0001>
#map = affine_map<(d0, d1) -> (0, 0)>
module attributes {stable_mosaic.version = 14 : i64} {
  func.func @fused_kernel(%arg0: i32, %arg1: i32, %arg2: memref<1200x128xf32, #tpu.memory_space<hbm>>, %arg3: memref<819200x128xf32, #tpu.memory_space<hbm>>, %arg4: memref<1x819200xi32, #tpu.memory_space<hbm>>, %arg5: memref<1x819200xi32, #tpu.memory_space<hbm>>, %arg6: memref<819200x128xf32, #tpu.memory_space<hbm>>, %arg7: memref<1200x128xf32, #tpu.memory_space<vmem_shared>>, %arg8: memref<4x128x128xf32, #tpu.memory_space<vmem>>, %arg9: memref<4x128xi32, #tpu.memory_space<vmem>>, %arg10: memref<4x128xi32, #tpu.memory_space<vmem>>, %arg11: memref<!tpu.dma_semaphore, #tpu.memory_space<semaphore_mem>>, %arg12: memref<!tpu.dma_semaphore, #tpu.memory_space<semaphore_mem>>, %arg13: memref<!tpu.dma_semaphore, #tpu.memory_space<semaphore_mem>>, %arg14: memref<!tpu.dma_semaphore, #tpu.memory_space<semaphore_mem>>, %arg15: memref<!tpu.dma_semaphore, #tpu.memory_space<semaphore_mem>>, %arg16: memref<!tpu.dma_semaphore, #tpu.memory_space<semaphore_mem>>, %arg17: memref<!tpu.dma_semaphore, #tpu.memory_space<semaphore_mem>>, %arg18: memref<!tpu.dma_semaphore, #tpu.memory_space<semaphore_mem>>, %arg19: memref<!tpu.dma_semaphore, #tpu.memory_space<semaphore_mem>>, %arg20: memref<!tpu.dma_semaphore, #tpu.memory_space<semaphore_mem>>, %arg21: memref<!tpu.dma_semaphore, #tpu.memory_space<semaphore_mem>>, %arg22: memref<!tpu.dma_semaphore, #tpu.memory_space<semaphore_mem>>, %arg23: memref<!tpu.dma_semaphore, #tpu.memory_space<semaphore_mem>>, %arg24: memref<!tpu.dma_semaphore, #tpu.memory_space<semaphore_mem>>, %arg25: memref<!tpu.dma_semaphore, #tpu.memory_space<semaphore_mem>>, %arg26: memref<!tpu.dma_semaphore, #tpu.memory_space<semaphore_mem>>) attributes {dimension_semantics = [#tpu.dimension_semantics<core_parallel>, #tpu.dimension_semantics<subcore_parallel>], iteration_bounds = array<i64: 2, 16>, scalar_prefetch = 0 : i64, scratch_operands = 20 : i64, tpu.core_type = #tpu.core_type<sc_vector_subcore>, window_params = [{transform_indices = #map}, {transform_indices = #map}, {transform_indices = #map}, {transform_indices = #map}, {transform_indices = #map}]} {
    %eq3A = arith.constant 0 : i32
    %eq3A_0 = arith.cmpi eq, %arg1, %eq3A : i32
    %convert_element_type3A = arith.extui %eq3A_0 : i1 to i32
    %cond3A = arith.constant 0 : i32
    %cond3A_1 = arith.cmpi ne, %convert_element_type3A, %cond3A : i32
    scf.if %cond3A_1 {
      "tpu.region"() ({
        %run_scoped3A = tpu.sem_alloc : memref<!tpu.dma_semaphore, #tpu.memory_space<semaphore_mem>>
        tpu.enqueue_dma source(%arg2 : memref<1200x128xf32, #tpu.memory_space<hbm>>) target(%arg7 : memref<1200x128xf32, #tpu.memory_space<vmem_shared>>) target_semaphore(%run_scoped3A : memref<!tpu.dma_semaphore, #tpu.memory_space<semaphore_mem>>)
        tpu.wait_dma2 semaphore(%run_scoped3A : memref<!tpu.dma_semaphore, #tpu.memory_space<semaphore_mem>>) src(%arg2 : memref<1200x128xf32, #tpu.memory_space<hbm>>) dst(%arg7 : memref<1200x128xf32, #tpu.memory_space<vmem_shared>>)
        tpu.yield
      }) : () -> ()
    } else {
    }
    %barrier3A = arith.constant 0 : index
    tpu.barrier barrier_id(%barrier3A)
    %mul3A = arith.constant 2 : i32
    %mul3A_2 = arith.muli %arg1, %mul3A : i32
    %add3A = arith.addi %mul3A_2, %arg0 : i32
    %mul3A_3 = arith.constant 25600 : i32
    %mul3A_4 = arith.muli %add3A, %mul3A_3 : i32
    %add3A_5 = arith.constant 0 : i32
    %add3A_6 = arith.addi %mul3A_4, %add3A_5 : i32
    %dma_start3A = arith.constant 0 : i32
    %dma_start3A_7 = arith.constant 0 : i32
    %dma_start3A_8 = arith.constant 0 : i32
    %dma_start3A_9 = tpu.memref_slice %arg8[%dma_start3A, %dma_start3A_7, %dma_start3A_8] : memref<4x128x128xf32, #tpu.memory_space<vmem>> -> memref<1x128x128xf32, #tpu.memory_space<vmem>>
    %dma_start3A_10 = tpu.memref_squeeze %dma_start3A_9 : memref<1x128x128xf32, #tpu.memory_space<vmem>> -> memref<128x128xf32, #tpu.memory_space<vmem>>
    %dma_start3A_11 = arith.constant 0 : i32
    %dma_start3A_12 = tpu.memref_slice %arg3[%add3A_6, %dma_start3A_11] : memref<819200x128xf32, #tpu.memory_space<hbm>> -> memref<128x128xf32, #tpu.memory_space<hbm>>
    %dma_start3A_13 = arith.constant 0 : i32
    %dma_start3A_14 = arith.constant 0 : i32
    %dma_start3A_15 = tpu.memref_slice %arg8[%dma_start3A, %dma_start3A_13, %dma_start3A_14] : memref<4x128x128xf32, #tpu.memory_space<vmem>> -> memref<1x128x128xf32, #tpu.memory_space<vmem>>
    %dma_start3A_16 = tpu.memref_squeeze %dma_start3A_15 : memref<1x128x128xf32, #tpu.memory_space<vmem>> -> memref<128x128xf32, #tpu.memory_space<vmem>>
    %dma_start3A_17 = arith.constant 0 : i32
    %dma_start3A_18 = tpu.memref_slice %arg3[%add3A_6, %dma_start3A_17] : memref<819200x128xf32, #tpu.memory_space<hbm>> -> memref<128x128xf32, #tpu.memory_space<hbm>>
    tpu.enqueue_dma source(%dma_start3A_18 : memref<128x128xf32, #tpu.memory_space<hbm>>) target(%dma_start3A_16 : memref<128x128xf32, #tpu.memory_space<vmem>>) target_semaphore(%arg11 : memref<!tpu.dma_semaphore, #tpu.memory_space<semaphore_mem>>)
    %add3A_19 = arith.constant 0 : i32
    %add3A_20 = arith.addi %mul3A_4, %add3A_19 : i32
    %dma_start3A_21 = arith.constant 0 : i32
    %dma_start3A_22 = arith.constant 0 : i32
    %dma_start3A_23 = arith.constant 0 : i32
    %dma_start3A_24 = tpu.memref_slice %arg9[%dma_start3A_22, %dma_start3A_23] : memref<4x128xi32, #tpu.memory_space<vmem>> -> memref<1x128xi32, #tpu.memory_space<vmem>>
    %dma_start3A_25 = tpu.memref_squeeze %dma_start3A_24 : memref<1x128xi32, #tpu.memory_space<vmem>> -> memref<128xi32, #tpu.memory_space<vmem>>
    %dma_start3A_26 = tpu.memref_slice %arg4[%dma_start3A_21, %add3A_20] : memref<1x819200xi32, #tpu.memory_space<hbm>> -> memref<1x128xi32, #tpu.memory_space<hbm>>
    %dma_start3A_27 = tpu.memref_squeeze %dma_start3A_26 : memref<1x128xi32, #tpu.memory_space<hbm>> -> memref<128xi32, #tpu.memory_space<hbm>>
    %dma_start3A_28 = arith.constant 0 : i32
    %dma_start3A_29 = tpu.memref_slice %arg9[%dma_start3A_22, %dma_start3A_28] : memref<4x128xi32, #tpu.memory_space<vmem>> -> memref<1x128xi32, #tpu.memory_space<vmem>>
    %dma_start3A_30 = tpu.memref_squeeze %dma_start3A_29 : memref<1x128xi32, #tpu.memory_space<vmem>> -> memref<128xi32, #tpu.memory_space<vmem>>
    %dma_start3A_31 = tpu.memref_slice %arg4[%dma_start3A_21, %add3A_20] : memref<1x819200xi32, #tpu.memory_space<hbm>> -> memref<1x128xi32, #tpu.memory_space<hbm>>
    %dma_start3A_32 = tpu.memref_squeeze %dma_start3A_31 : memref<1x128xi32, #tpu.memory_space<hbm>> -> memref<128xi32, #tpu.memory_space<hbm>>
    tpu.enqueue_dma source(%dma_start3A_32 : memref<128xi32, #tpu.memory_space<hbm>>) target(%dma_start3A_30 : memref<128xi32, #tpu.memory_space<vmem>>) target_semaphore(%arg15 : memref<!tpu.dma_semaphore, #tpu.memory_space<semaphore_mem>>)
    %add3A_33 = arith.constant 0 : i32
    %add3A_34 = arith.addi %mul3A_4, %add3A_33 : i32
    %dma_start3A_35 = arith.constant 0 : i32
    %dma_start3A_36 = arith.constant 0 : i32
    %dma_start3A_37 = arith.constant 0 : i32
    %dma_start3A_38 = tpu.memref_slice %arg10[%dma_start3A_36, %dma_start3A_37] : memref<4x128xi32, #tpu.memory_space<vmem>> -> memref<1x128xi32, #tpu.memory_space<vmem>>
    %dma_start3A_39 = tpu.memref_squeeze %dma_start3A_38 : memref<1x128xi32, #tpu.memory_space<vmem>> -> memref<128xi32, #tpu.memory_space<vmem>>
    %dma_start3A_40 = tpu.memref_slice %arg5[%dma_start3A_35, %add3A_34] : memref<1x819200xi32, #tpu.memory_space<hbm>> -> memref<1x128xi32, #tpu.memory_space<hbm>>
    %dma_start3A_41 = tpu.memref_squeeze %dma_start3A_40 : memref<1x128xi32, #tpu.memory_space<hbm>> -> memref<128xi32, #tpu.memory_space<hbm>>
    %dma_start3A_42 = arith.constant 0 : i32
    %dma_start3A_43 = tpu.memref_slice %arg10[%dma_start3A_36, %dma_start3A_42] : memref<4x128xi32, #tpu.memory_space<vmem>> -> memref<1x128xi32, #tpu.memory_space<vmem>>
    %dma_start3A_44 = tpu.memref_squeeze %dma_start3A_43 : memref<1x128xi32, #tpu.memory_space<vmem>> -> memref<128xi32, #tpu.memory_space<vmem>>
    %dma_start3A_45 = tpu.memref_slice %arg5[%dma_start3A_35, %add3A_34] : memref<1x819200xi32, #tpu.memory_space<hbm>> -> memref<1x128xi32, #tpu.memory_space<hbm>>
    %dma_start3A_46 = tpu.memref_squeeze %dma_start3A_45 : memref<1x128xi32, #tpu.memory_space<hbm>> -> memref<128xi32, #tpu.memory_space<hbm>>
    tpu.enqueue_dma source(%dma_start3A_46 : memref<128xi32, #tpu.memory_space<hbm>>) target(%dma_start3A_44 : memref<128xi32, #tpu.memory_space<vmem>>) target_semaphore(%arg19 : memref<!tpu.dma_semaphore, #tpu.memory_space<semaphore_mem>>)
    %add3A_47 = arith.constant 128 : i32
    %add3A_48 = arith.addi %mul3A_4, %add3A_47 : i32
    %dma_start3A_49 = arith.constant 1 : i32
    %dma_start3A_50 = arith.constant 0 : i32
    %dma_start3A_51 = arith.constant 0 : i32
    %dma_start3A_52 = tpu.memref_slice %arg8[%dma_start3A_49, %dma_start3A_50, %dma_start3A_51] : memref<4x128x128xf32, #tpu.memory_space<vmem>> -> memref<1x128x128xf32, #tpu.memory_space<vmem>>
    %dma_start3A_53 = tpu.memref_squeeze %dma_start3A_52 : memref<1x128x128xf32, #tpu.memory_space<vmem>> -> memref<128x128xf32, #tpu.memory_space<vmem>>
    %dma_start3A_54 = arith.constant 0 : i32
    %dma_start3A_55 = tpu.memref_slice %arg3[%add3A_48, %dma_start3A_54] : memref<819200x128xf32, #tpu.memory_space<hbm>> -> memref<128x128xf32, #tpu.memory_space<hbm>>
    %dma_start3A_56 = arith.constant 0 : i32
    %dma_start3A_57 = arith.constant 0 : i32
    %dma_start3A_58 = tpu.memref_slice %arg8[%dma_start3A_49, %dma_start3A_56, %dma_start3A_57] : memref<4x128x128xf32, #tpu.memory_space<vmem>> -> memref<1x128x128xf32, #tpu.memory_space<vmem>>
    %dma_start3A_59 = tpu.memref_squeeze %dma_start3A_58 : memref<1x128x128xf32, #tpu.memory_space<vmem>> -> memref<128x128xf32, #tpu.memory_space<vmem>>
    %dma_start3A_60 = arith.constant 0 : i32
    %dma_start3A_61 = tpu.memref_slice %arg3[%add3A_48, %dma_start3A_60] : memref<819200x128xf32, #tpu.memory_space<hbm>> -> memref<128x128xf32, #tpu.memory_space<hbm>>
    tpu.enqueue_dma source(%dma_start3A_61 : memref<128x128xf32, #tpu.memory_space<hbm>>) target(%dma_start3A_59 : memref<128x128xf32, #tpu.memory_space<vmem>>) target_semaphore(%arg12 : memref<!tpu.dma_semaphore, #tpu.memory_space<semaphore_mem>>)
    %add3A_62 = arith.constant 128 : i32
    %add3A_63 = arith.addi %mul3A_4, %add3A_62 : i32
    %dma_start3A_64 = arith.constant 0 : i32
    %dma_start3A_65 = arith.constant 1 : i32
    %dma_start3A_66 = arith.constant 0 : i32
    %dma_start3A_67 = tpu.memref_slice %arg9[%dma_start3A_65, %dma_start3A_66] : memref<4x128xi32, #tpu.memory_space<vmem>> -> memref<1x128xi32, #tpu.memory_space<vmem>>
    %dma_start3A_68 = tpu.memref_squeeze %dma_start3A_67 : memref<1x128xi32, #tpu.memory_space<vmem>> -> memref<128xi32, #tpu.memory_space<vmem>>
    %dma_start3A_69 = tpu.memref_slice %arg4[%dma_start3A_64, %add3A_63] : memref<1x819200xi32, #tpu.memory_space<hbm>> -> memref<1x128xi32, #tpu.memory_space<hbm>>
    %dma_start3A_70 = tpu.memref_squeeze %dma_start3A_69 : memref<1x128xi32, #tpu.memory_space<hbm>> -> memref<128xi32, #tpu.memory_space<hbm>>
    %dma_start3A_71 = arith.constant 0 : i32
    %dma_start3A_72 = tpu.memref_slice %arg9[%dma_start3A_65, %dma_start3A_71] : memref<4x128xi32, #tpu.memory_space<vmem>> -> memref<1x128xi32, #tpu.memory_space<vmem>>
    %dma_start3A_73 = tpu.memref_squeeze %dma_start3A_72 : memref<1x128xi32, #tpu.memory_space<vmem>> -> memref<128xi32, #tpu.memory_space<vmem>>
    %dma_start3A_74 = tpu.memref_slice %arg4[%dma_start3A_64, %add3A_63] : memref<1x819200xi32, #tpu.memory_space<hbm>> -> memref<1x128xi32, #tpu.memory_space<hbm>>
    %dma_start3A_75 = tpu.memref_squeeze %dma_start3A_74 : memref<1x128xi32, #tpu.memory_space<hbm>> -> memref<128xi32, #tpu.memory_space<hbm>>
    tpu.enqueue_dma source(%dma_start3A_75 : memref<128xi32, #tpu.memory_space<hbm>>) target(%dma_start3A_73 : memref<128xi32, #tpu.memory_space<vmem>>) target_semaphore(%arg16 : memref<!tpu.dma_semaphore, #tpu.memory_space<semaphore_mem>>)
    %add3A_76 = arith.constant 128 : i32
    %add3A_77 = arith.addi %mul3A_4, %add3A_76 : i32
    %dma_start3A_78 = arith.constant 0 : i32
    %dma_start3A_79 = arith.constant 1 : i32
    %dma_start3A_80 = arith.constant 0 : i32
    %dma_start3A_81 = tpu.memref_slice %arg10[%dma_start3A_79, %dma_start3A_80] : memref<4x128xi32, #tpu.memory_space<vmem>> -> memref<1x128xi32, #tpu.memory_space<vmem>>
    %dma_start3A_82 = tpu.memref_squeeze %dma_start3A_81 : memref<1x128xi32, #tpu.memory_space<vmem>> -> memref<128xi32, #tpu.memory_space<vmem>>
    %dma_start3A_83 = tpu.memref_slice %arg5[%dma_start3A_78, %add3A_77] : memref<1x819200xi32, #tpu.memory_space<hbm>> -> memref<1x128xi32, #tpu.memory_space<hbm>>
    %dma_start3A_84 = tpu.memref_squeeze %dma_start3A_83 : memref<1x128xi32, #tpu.memory_space<hbm>> -> memref<128xi32, #tpu.memory_space<hbm>>
    %dma_start3A_85 = arith.constant 0 : i32
    %dma_start3A_86 = tpu.memref_slice %arg10[%dma_start3A_79, %dma_start3A_85] : memref<4x128xi32, #tpu.memory_space<vmem>> -> memref<1x128xi32, #tpu.memory_space<vmem>>
    %dma_start3A_87 = tpu.memref_squeeze %dma_start3A_86 : memref<1x128xi32, #tpu.memory_space<vmem>> -> memref<128xi32, #tpu.memory_space<vmem>>
    %dma_start3A_88 = tpu.memref_slice %arg5[%dma_start3A_78, %add3A_77] : memref<1x819200xi32, #tpu.memory_space<hbm>> -> memref<1x128xi32, #tpu.memory_space<hbm>>
    %dma_start3A_89 = tpu.memref_squeeze %dma_start3A_88 : memref<1x128xi32, #tpu.memory_space<hbm>> -> memref<128xi32, #tpu.memory_space<hbm>>
    tpu.enqueue_dma source(%dma_start3A_89 : memref<128xi32, #tpu.memory_space<hbm>>) target(%dma_start3A_87 : memref<128xi32, #tpu.memory_space<vmem>>) target_semaphore(%arg20 : memref<!tpu.dma_semaphore, #tpu.memory_space<semaphore_mem>>)
    %scan3A = arith.constant 0 : i32
    %scan3A_90 = arith.constant 50 : i32
    %scan3A_91 = arith.addi %scan3A, %scan3A_90 : i32
    %scan3A_92 = arith.constant 1 : i32
    scf.for %scan3A_119 = %scan3A to %scan3A_91 step %scan3A_92  : i32 {
      %mul3A_120 = arith.constant 4 : i32
      %mul3A_121 = arith.muli %scan3A_119, %mul3A_120 : i32
      %add3A_122 = arith.constant 0 : i32
      %add3A_123 = arith.addi %add3A_122, %mul3A_121 : i32
      %add3A_124 = arith.constant 0 : i32
      %add3A_125 = arith.addi %add3A_123, %add3A_124 : i32
      %dma_wait3A_126 = arith.constant 0 : i32
      %dma_wait3A_127 = arith.constant 0 : i32
      %dma_wait3A_128 = arith.constant 0 : i32
      %dma_wait3A_129 = tpu.memref_slice %arg8[%dma_wait3A_126, %dma_wait3A_127, %dma_wait3A_128] : memref<4x128x128xf32, #tpu.memory_space<vmem>> -> memref<1x128x128xf32, #tpu.memory_space<vmem>>
      %dma_wait3A_130 = tpu.memref_squeeze %dma_wait3A_129 : memref<1x128x128xf32, #tpu.memory_space<vmem>> -> memref<128x128xf32, #tpu.memory_space<vmem>>
      %dma_wait3A_131 = arith.constant 0 : i32
      %dma_wait3A_132 = tpu.memref_slice %arg3[%mul3A_4, %dma_wait3A_131] : memref<819200x128xf32, #tpu.memory_space<hbm>> -> memref<128x128xf32, #tpu.memory_space<hbm>>
      %dma_wait3A_133 = arith.constant 0 : i32
      %dma_wait3A_134 = arith.constant 0 : i32
      %dma_wait3A_135 = tpu.memref_slice %arg8[%dma_wait3A_126, %dma_wait3A_133, %dma_wait3A_134] : memref<4x128x128xf32, #tpu.memory_space<vmem>> -> memref<1x128x128xf32, #tpu.memory_space<vmem>>
      %dma_wait3A_136 = tpu.memref_squeeze %dma_wait3A_135 : memref<1x128x128xf32, #tpu.memory_space<vmem>> -> memref<128x128xf32, #tpu.memory_space<vmem>>
      %dma_wait3A_137 = arith.constant 0 : i32
      %dma_wait3A_138 = tpu.memref_slice %arg3[%mul3A_4, %dma_wait3A_137] : memref<819200x128xf32, #tpu.memory_space<hbm>> -> memref<128x128xf32, #tpu.memory_space<hbm>>
      tpu.wait_dma2 semaphore(%arg11 : memref<!tpu.dma_semaphore, #tpu.memory_space<semaphore_mem>>) src(%dma_wait3A_138 : memref<128x128xf32, #tpu.memory_space<hbm>>) dst(%dma_wait3A_136 : memref<128x128xf32, #tpu.memory_space<vmem>>)
      %dma_wait3A_139 = arith.constant 0 : i32
      %dma_wait3A_140 = arith.constant 0 : i32
      %dma_wait3A_141 = arith.constant 0 : i32
      %dma_wait3A_142 = tpu.memref_slice %arg9[%dma_wait3A_140, %dma_wait3A_141] : memref<4x128xi32, #tpu.memory_space<vmem>> -> memref<1x128xi32, #tpu.memory_space<vmem>>
      %dma_wait3A_143 = tpu.memref_squeeze %dma_wait3A_142 : memref<1x128xi32, #tpu.memory_space<vmem>> -> memref<128xi32, #tpu.memory_space<vmem>>
      %dma_wait3A_144 = arith.constant 0 : i32
      %dma_wait3A_145 = tpu.memref_slice %arg4[%dma_wait3A_139, %dma_wait3A_144] : memref<1x819200xi32, #tpu.memory_space<hbm>> -> memref<1x128xi32, #tpu.memory_space<hbm>>
      %dma_wait3A_146 = tpu.memref_squeeze %dma_wait3A_145 : memref<1x128xi32, #tpu.memory_space<hbm>> -> memref<128xi32, #tpu.memory_space<hbm>>
      %dma_wait3A_147 = arith.constant 0 : i32
      %dma_wait3A_148 = tpu.memref_slice %arg9[%dma_wait3A_140, %dma_wait3A_147] : memref<4x128xi32, #tpu.memory_space<vmem>> -> memref<1x128xi32, #tpu.memory_space<vmem>>
      %dma_wait3A_149 = tpu.memref_squeeze %dma_wait3A_148 : memref<1x128xi32, #tpu.memory_space<vmem>> -> memref<128xi32, #tpu.memory_space<vmem>>
      %dma_wait3A_150 = arith.constant 0 : i32
      %dma_wait3A_151 = tpu.memref_slice %arg4[%dma_wait3A_139, %dma_wait3A_150] : memref<1x819200xi32, #tpu.memory_space<hbm>> -> memref<1x128xi32, #tpu.memory_space<hbm>>
      %dma_wait3A_152 = tpu.memref_squeeze %dma_wait3A_151 : memref<1x128xi32, #tpu.memory_space<hbm>> -> memref<128xi32, #tpu.memory_space<hbm>>
      tpu.wait_dma2 semaphore(%arg15 : memref<!tpu.dma_semaphore, #tpu.memory_space<semaphore_mem>>) src(%dma_wait3A_152 : memref<128xi32, #tpu.memory_space<hbm>>) dst(%dma_wait3A_149 : memref<128xi32, #tpu.memory_space<vmem>>)
      %dma_wait3A_153 = arith.constant 0 : i32
      %dma_wait3A_154 = arith.constant 0 : i32
      %dma_wait3A_155 = arith.constant 0 : i32
      %dma_wait3A_156 = tpu.memref_slice %arg10[%dma_wait3A_154, %dma_wait3A_155] : memref<4x128xi32, #tpu.memory_space<vmem>> -> memref<1x128xi32, #tpu.memory_space<vmem>>
      %dma_wait3A_157 = tpu.memref_squeeze %dma_wait3A_156 : memref<1x128xi32, #tpu.memory_space<vmem>> -> memref<128xi32, #tpu.memory_space<vmem>>
      %dma_wait3A_158 = arith.constant 0 : i32
      %dma_wait3A_159 = tpu.memref_slice %arg5[%dma_wait3A_153, %dma_wait3A_158] : memref<1x819200xi32, #tpu.memory_space<hbm>> -> memref<1x128xi32, #tpu.memory_space<hbm>>
      %dma_wait3A_160 = tpu.memref_squeeze %dma_wait3A_159 : memref<1x128xi32, #tpu.memory_space<hbm>> -> memref<128xi32, #tpu.memory_space<hbm>>
      %dma_wait3A_161 = arith.constant 0 : i32
      %dma_wait3A_162 = tpu.memref_slice %arg10[%dma_wait3A_154, %dma_wait3A_161] : memref<4x128xi32, #tpu.memory_space<vmem>> -> memref<1x128xi32, #tpu.memory_space<vmem>>
      %dma_wait3A_163 = tpu.memref_squeeze %dma_wait3A_162 : memref<1x128xi32, #tpu.memory_space<vmem>> -> memref<128xi32, #tpu.memory_space<vmem>>
      %dma_wait3A_164 = arith.constant 0 : i32
      %dma_wait3A_165 = tpu.memref_slice %arg5[%dma_wait3A_153, %dma_wait3A_164] : memref<1x819200xi32, #tpu.memory_space<hbm>> -> memref<1x128xi32, #tpu.memory_space<hbm>>
      %dma_wait3A_166 = tpu.memref_squeeze %dma_wait3A_165 : memref<1x128xi32, #tpu.memory_space<hbm>> -> memref<128xi32, #tpu.memory_space<hbm>>
      tpu.wait_dma2 semaphore(%arg19 : memref<!tpu.dma_semaphore, #tpu.memory_space<semaphore_mem>>) src(%dma_wait3A_166 : memref<128xi32, #tpu.memory_space<hbm>>) dst(%dma_wait3A_163 : memref<128xi32, #tpu.memory_space<vmem>>)
      %run_scoped3A = arith.constant 0 : i32
      %run_scoped3A_167 = arith.constant 0 : i32
      "tpu.region"() ({
        %run_scoped3A_421 = tpu.sem_alloc : memref<!tpu.dma_semaphore, #tpu.memory_space<semaphore_mem>>
        %dma_start3A_422 = arith.constant 0 : i32
        %dma_start3A_423 = arith.constant 0 : i32
        %dma_start3A_424 = tpu.memref_slice %arg8[%run_scoped3A_167, %dma_start3A_422, %dma_start3A_423] : memref<4x128x128xf32, #tpu.memory_space<vmem>> -> memref<1x128x128xf32, #tpu.memory_space<vmem>>
        %dma_start3A_425 = tpu.memref_squeeze %dma_start3A_424 : memref<1x128x128xf32, #tpu.memory_space<vmem>> -> memref<128x128xf32, #tpu.memory_space<vmem>>
        %dma_start3A_426 = arith.constant 0 : i32
        %dma_start3A_427 = tpu.memref_slice %arg9[%run_scoped3A, %dma_start3A_426] : memref<4x128xi32, #tpu.memory_space<vmem>> -> memref<1x128xi32, #tpu.memory_space<vmem>>
        %dma_start3A_428 = tpu.memref_squeeze %dma_start3A_427 : memref<1x128xi32, #tpu.memory_space<vmem>> -> memref<128xi32, #tpu.memory_space<vmem>>
        %dma_start3A_429 = arith.constant 0 : i32
        %dma_start3A_430 = arith.constant 0 : i32
        %dma_start3A_431 = tpu.memref_slice %arg7[%dma_start3A_429, %dma_start3A_430] : memref<1200x128xf32, #tpu.memory_space<vmem_shared>> -> memref<1200x128xf32, #tpu.memory_space<vmem_shared>>
        tpu.enqueue_indirect_dma source(%dma_start3A_431 : memref<1200x128xf32, #tpu.memory_space<vmem_shared>>) target(%dma_start3A_425 : memref<128x128xf32, #tpu.memory_space<vmem>>) offsets(%dma_start3A_428 : memref<128xi32, #tpu.memory_space<vmem>>) semaphore(%run_scoped3A_421 : memref<!tpu.dma_semaphore, #tpu.memory_space<semaphore_mem>>) {add = true}
        %dma_wait3A_432 = arith.constant 0 : i32
        %dma_wait3A_433 = arith.constant 0 : i32
        %dma_wait3A_434 = tpu.memref_slice %arg8[%run_scoped3A_167, %dma_wait3A_432, %dma_wait3A_433] : memref<4x128x128xf32, #tpu.memory_space<vmem>> -> memref<1x128x128xf32, #tpu.memory_space<vmem>>
        %dma_wait3A_435 = tpu.memref_squeeze %dma_wait3A_434 : memref<1x128x128xf32, #tpu.memory_space<vmem>> -> memref<128x128xf32, #tpu.memory_space<vmem>>
        %dma_wait3A_436 = arith.constant 0 : i32
        %dma_wait3A_437 = tpu.memref_slice %arg9[%run_scoped3A, %dma_wait3A_436] : memref<4x128xi32, #tpu.memory_space<vmem>> -> memref<1x128xi32, #tpu.memory_space<vmem>>
        %dma_wait3A_438 = tpu.memref_squeeze %dma_wait3A_437 : memref<1x128xi32, #tpu.memory_space<vmem>> -> memref<128xi32, #tpu.memory_space<vmem>>
        %dma_wait3A_439 = arith.constant 0 : i32
        %dma_wait3A_440 = arith.constant 0 : i32
        %dma_wait3A_441 = tpu.memref_slice %arg7[%dma_wait3A_439, %dma_wait3A_440] : memref<1200x128xf32, #tpu.memory_space<vmem_shared>> -> memref<1200x128xf32, #tpu.memory_space<vmem_shared>>
        tpu.wait_indirect_dma semaphore(%run_scoped3A_421 : memref<!tpu.dma_semaphore, #tpu.memory_space<semaphore_mem>>) src(%dma_wait3A_441 : memref<1200x128xf32, #tpu.memory_space<vmem_shared>>) dst(%dma_wait3A_435 : memref<128x128xf32, #tpu.memory_space<vmem>>)
        tpu.yield
      }) : () -> ()
      %run_scoped3A_168 = arith.constant 0 : i32
      %run_scoped3A_169 = arith.constant 0 : i32
      "tpu.region"() ({
        %run_scoped3A_421 = tpu.sem_alloc : memref<!tpu.dma_semaphore, #tpu.memory_space<semaphore_mem>>
        %dma_start3A_422 = arith.constant 0 : i32
        %dma_start3A_423 = arith.constant 0 : i32
        %dma_start3A_424 = tpu.memref_slice %arg8[%run_scoped3A_169, %dma_start3A_422, %dma_start3A_423] : memref<4x128x128xf32, #tpu.memory_space<vmem>> -> memref<1x128x128xf32, #tpu.memory_space<vmem>>
        %dma_start3A_425 = tpu.memref_squeeze %dma_start3A_424 : memref<1x128x128xf32, #tpu.memory_space<vmem>> -> memref<128x128xf32, #tpu.memory_space<vmem>>
        %dma_start3A_426 = arith.constant 0 : i32
        %dma_start3A_427 = tpu.memref_slice %arg10[%run_scoped3A_168, %dma_start3A_426] : memref<4x128xi32, #tpu.memory_space<vmem>> -> memref<1x128xi32, #tpu.memory_space<vmem>>
        %dma_start3A_428 = tpu.memref_squeeze %dma_start3A_427 : memref<1x128xi32, #tpu.memory_space<vmem>> -> memref<128xi32, #tpu.memory_space<vmem>>
        %dma_start3A_429 = arith.constant 0 : i32
        %dma_start3A_430 = arith.constant 0 : i32
        %dma_start3A_431 = tpu.memref_slice %arg7[%dma_start3A_429, %dma_start3A_430] : memref<1200x128xf32, #tpu.memory_space<vmem_shared>> -> memref<1200x128xf32, #tpu.memory_space<vmem_shared>>
        tpu.enqueue_indirect_dma source(%dma_start3A_431 : memref<1200x128xf32, #tpu.memory_space<vmem_shared>>) target(%dma_start3A_425 : memref<128x128xf32, #tpu.memory_space<vmem>>) offsets(%dma_start3A_428 : memref<128xi32, #tpu.memory_space<vmem>>) semaphore(%run_scoped3A_421 : memref<!tpu.dma_semaphore, #tpu.memory_space<semaphore_mem>>) {add = true}
        %dma_wait3A_432 = arith.constant 0 : i32
        %dma_wait3A_433 = arith.constant 0 : i32
        %dma_wait3A_434 = tpu.memref_slice %arg8[%run_scoped3A_169, %dma_wait3A_432, %dma_wait3A_433] : memref<4x128x128xf32, #tpu.memory_space<vmem>> -> memref<1x128x128xf32, #tpu.memory_space<vmem>>
        %dma_wait3A_435 = tpu.memref_squeeze %dma_wait3A_434 : memref<1x128x128xf32, #tpu.memory_space<vmem>> -> memref<128x128xf32, #tpu.memory_space<vmem>>
        %dma_wait3A_436 = arith.constant 0 : i32
        %dma_wait3A_437 = tpu.memref_slice %arg10[%run_scoped3A_168, %dma_wait3A_436] : memref<4x128xi32, #tpu.memory_space<vmem>> -> memref<1x128xi32, #tpu.memory_space<vmem>>
        %dma_wait3A_438 = tpu.memref_squeeze %dma_wait3A_437 : memref<1x128xi32, #tpu.memory_space<vmem>> -> memref<128xi32, #tpu.memory_space<vmem>>
        %dma_wait3A_439 = arith.constant 0 : i32
        %dma_wait3A_440 = arith.constant 0 : i32
        %dma_wait3A_441 = tpu.memref_slice %arg7[%dma_wait3A_439, %dma_wait3A_440] : memref<1200x128xf32, #tpu.memory_space<vmem_shared>> -> memref<1200x128xf32, #tpu.memory_space<vmem_shared>>
        tpu.wait_indirect_dma semaphore(%run_scoped3A_421 : memref<!tpu.dma_semaphore, #tpu.memory_space<semaphore_mem>>) src(%dma_wait3A_441 : memref<1200x128xf32, #tpu.memory_space<vmem_shared>>) dst(%dma_wait3A_435 : memref<128x128xf32, #tpu.memory_space<vmem>>)
        tpu.yield
      }) : () -> ()
      %mul3A_170 = arith.constant 128 : i32
      %mul3A_171 = arith.muli %add3A_125, %mul3A_170 : i32
      %add3A_172 = arith.addi %mul3A_4, %mul3A_171 : i32
      %dma_start3A_173 = arith.constant 0 : i32
      %dma_start3A_174 = arith.constant 0 : i32
      %dma_start3A_175 = arith.constant 0 : i32
      %dma_start3A_176 = tpu.memref_slice %arg8[%dma_start3A_173, %dma_start3A_174, %dma_start3A_175] : memref<4x128x128xf32, #tpu.memory_space<vmem>> -> memref<1x128x128xf32, #tpu.memory_space<vmem>>
      %dma_start3A_177 = tpu.memref_squeeze %dma_start3A_176 : memref<1x128x128xf32, #tpu.memory_space<vmem>> -> memref<128x128xf32, #tpu.memory_space<vmem>>
      %dma_start3A_178 = arith.constant 0 : i32
      %dma_start3A_179 = tpu.memref_slice %arg6[%add3A_172, %dma_start3A_178] : memref<819200x128xf32, #tpu.memory_space<hbm>> -> memref<128x128xf32, #tpu.memory_space<hbm>>
      %dma_start3A_180 = arith.constant 0 : i32
      %dma_start3A_181 = tpu.memref_slice %arg6[%add3A_172, %dma_start3A_180] : memref<819200x128xf32, #tpu.memory_space<hbm>> -> memref<128x128xf32, #tpu.memory_space<hbm>>
      %dma_start3A_182 = arith.constant 0 : i32
      %dma_start3A_183 = arith.constant 0 : i32
      %dma_start3A_184 = tpu.memref_slice %arg8[%dma_start3A_173, %dma_start3A_182, %dma_start3A_183] : memref<4x128x128xf32, #tpu.memory_space<vmem>> -> memref<1x128x128xf32, #tpu.memory_space<vmem>>
      %dma_start3A_185 = tpu.memref_squeeze %dma_start3A_184 : memref<1x128x128xf32, #tpu.memory_space<vmem>> -> memref<128x128xf32, #tpu.memory_space<vmem>>
      tpu.enqueue_dma source(%dma_start3A_185 : memref<128x128xf32, #tpu.memory_space<vmem>>) target(%dma_start3A_181 : memref<128x128xf32, #tpu.memory_space<hbm>>) target_semaphore(%arg23 : memref<!tpu.dma_semaphore, #tpu.memory_space<semaphore_mem>>)
      %ge3A = arith.constant 2 : i32
      %ge3A_186 = arith.cmpi sge, %add3A_125, %ge3A : i32
      %convert_element_type3A_187 = arith.extui %ge3A_186 : i1 to i32
      %cond3A_188 = arith.constant 0 : i32
      %cond3A_189 = arith.cmpi ne, %convert_element_type3A_187, %cond3A_188 : i32
      scf.if %cond3A_189 {
        %dma_wait3A_421 = arith.constant 2 : i32
        %dma_wait3A_422 = arith.constant 0 : i32
        %dma_wait3A_423 = arith.constant 0 : i32
        %dma_wait3A_424 = tpu.memref_slice %arg8[%dma_wait3A_421, %dma_wait3A_422, %dma_wait3A_423] : memref<4x128x128xf32, #tpu.memory_space<vmem>> -> memref<1x128x128xf32, #tpu.memory_space<vmem>>
        %dma_wait3A_425 = tpu.memref_squeeze %dma_wait3A_424 : memref<1x128x128xf32, #tpu.memory_space<vmem>> -> memref<128x128xf32, #tpu.memory_space<vmem>>
        %dma_wait3A_426 = arith.constant 0 : i32
        %dma_wait3A_427 = tpu.memref_slice %arg6[%mul3A_4, %dma_wait3A_426] : memref<819200x128xf32, #tpu.memory_space<hbm>> -> memref<128x128xf32, #tpu.memory_space<hbm>>
        %dma_wait3A_428 = arith.constant 0 : i32
        %dma_wait3A_429 = tpu.memref_slice %arg6[%mul3A_4, %dma_wait3A_428] : memref<819200x128xf32, #tpu.memory_space<hbm>> -> memref<128x128xf32, #tpu.memory_space<hbm>>
        %dma_wait3A_430 = arith.constant 0 : i32
        %dma_wait3A_431 = arith.constant 0 : i32
        %dma_wait3A_432 = tpu.memref_slice %arg8[%dma_wait3A_421, %dma_wait3A_430, %dma_wait3A_431] : memref<4x128x128xf32, #tpu.memory_space<vmem>> -> memref<1x128x128xf32, #tpu.memory_space<vmem>>
        %dma_wait3A_433 = tpu.memref_squeeze %dma_wait3A_432 : memref<1x128x128xf32, #tpu.memory_space<vmem>> -> memref<128x128xf32, #tpu.memory_space<vmem>>
        tpu.wait_dma2 semaphore(%arg25 : memref<!tpu.dma_semaphore, #tpu.memory_space<semaphore_mem>>) src(%dma_wait3A_433 : memref<128x128xf32, #tpu.memory_space<vmem>>) dst(%dma_wait3A_429 : memref<128x128xf32, #tpu.memory_space<hbm>>)
      } else {
      }
      %add3A_190 = arith.constant 2 : i32
      %add3A_191 = arith.addi %add3A_125, %add3A_190 : i32
      %lt3A = arith.constant 200 : i32
      %lt3A_192 = arith.cmpi slt, %add3A_191, %lt3A : i32
      %convert_element_type3A_193 = arith.extui %lt3A_192 : i1 to i32
      %cond3A_194 = arith.constant 0 : i32
      %cond3A_195 = arith.cmpi ne, %convert_element_type3A_193, %cond3A_194 : i32
      scf.if %cond3A_195 {
        %add3A_421 = arith.constant 2 : i32
        %add3A_422 = arith.addi %add3A_125, %add3A_421 : i32
        %mul3A_423 = arith.constant 128 : i32
        %mul3A_424 = arith.muli %add3A_422, %mul3A_423 : i32
        %add3A_425 = arith.addi %mul3A_4, %mul3A_424 : i32
        %dma_start3A_426 = arith.constant 2 : i32
        %dma_start3A_427 = arith.constant 0 : i32
        %dma_start3A_428 = arith.constant 0 : i32
        %dma_start3A_429 = tpu.memref_slice %arg8[%dma_start3A_426, %dma_start3A_427, %dma_start3A_428] : memref<4x128x128xf32, #tpu.memory_space<vmem>> -> memref<1x128x128xf32, #tpu.memory_space<vmem>>
        %dma_start3A_430 = tpu.memref_squeeze %dma_start3A_429 : memref<1x128x128xf32, #tpu.memory_space<vmem>> -> memref<128x128xf32, #tpu.memory_space<vmem>>
        %dma_start3A_431 = arith.constant 0 : i32
        %dma_start3A_432 = tpu.memref_slice %arg3[%add3A_425, %dma_start3A_431] : memref<819200x128xf32, #tpu.memory_space<hbm>> -> memref<128x128xf32, #tpu.memory_space<hbm>>
        %dma_start3A_433 = arith.constant 0 : i32
        %dma_start3A_434 = arith.constant 0 : i32
        %dma_start3A_435 = tpu.memref_slice %arg8[%dma_start3A_426, %dma_start3A_433, %dma_start3A_434] : memref<4x128x128xf32, #tpu.memory_space<vmem>> -> memref<1x128x128xf32, #tpu.memory_space<vmem>>
        %dma_start3A_436 = tpu.memref_squeeze %dma_start3A_435 : memref<1x128x128xf32, #tpu.memory_space<vmem>> -> memref<128x128xf32, #tpu.memory_space<vmem>>
        %dma_start3A_437 = arith.constant 0 : i32
        %dma_start3A_438 = tpu.memref_slice %arg3[%add3A_425, %dma_start3A_437] : memref<819200x128xf32, #tpu.memory_space<hbm>> -> memref<128x128xf32, #tpu.memory_space<hbm>>
        tpu.enqueue_dma source(%dma_start3A_438 : memref<128x128xf32, #tpu.memory_space<hbm>>) target(%dma_start3A_436 : memref<128x128xf32, #tpu.memory_space<vmem>>) target_semaphore(%arg13 : memref<!tpu.dma_semaphore, #tpu.memory_space<semaphore_mem>>)
        %mul3A_439 = arith.constant 128 : i32
        %mul3A_440 = arith.muli %add3A_422, %mul3A_439 : i32
        %add3A_441 = arith.addi %mul3A_4, %mul3A_440 : i32
        %dma_start3A_442 = arith.constant 0 : i32
        %dma_start3A_443 = arith.constant 2 : i32
        %dma_start3A_444 = arith.constant 0 : i32
        %dma_start3A_445 = tpu.memref_slice %arg9[%dma_start3A_443, %dma_start3A_444] : memref<4x128xi32, #tpu.memory_space<vmem>> -> memref<1x128xi32, #tpu.memory_space<vmem>>
        %dma_start3A_446 = tpu.memref_squeeze %dma_start3A_445 : memref<1x128xi32, #tpu.memory_space<vmem>> -> memref<128xi32, #tpu.memory_space<vmem>>
        %dma_start3A_447 = tpu.memref_slice %arg4[%dma_start3A_442, %add3A_441] : memref<1x819200xi32, #tpu.memory_space<hbm>> -> memref<1x128xi32, #tpu.memory_space<hbm>>
        %dma_start3A_448 = tpu.memref_squeeze %dma_start3A_447 : memref<1x128xi32, #tpu.memory_space<hbm>> -> memref<128xi32, #tpu.memory_space<hbm>>
        %dma_start3A_449 = arith.constant 0 : i32
        %dma_start3A_450 = tpu.memref_slice %arg9[%dma_start3A_443, %dma_start3A_449] : memref<4x128xi32, #tpu.memory_space<vmem>> -> memref<1x128xi32, #tpu.memory_space<vmem>>
        %dma_start3A_451 = tpu.memref_squeeze %dma_start3A_450 : memref<1x128xi32, #tpu.memory_space<vmem>> -> memref<128xi32, #tpu.memory_space<vmem>>
        %dma_start3A_452 = tpu.memref_slice %arg4[%dma_start3A_442, %add3A_441] : memref<1x819200xi32, #tpu.memory_space<hbm>> -> memref<1x128xi32, #tpu.memory_space<hbm>>
        %dma_start3A_453 = tpu.memref_squeeze %dma_start3A_452 : memref<1x128xi32, #tpu.memory_space<hbm>> -> memref<128xi32, #tpu.memory_space<hbm>>
        tpu.enqueue_dma source(%dma_start3A_453 : memref<128xi32, #tpu.memory_space<hbm>>) target(%dma_start3A_451 : memref<128xi32, #tpu.memory_space<vmem>>) target_semaphore(%arg17 : memref<!tpu.dma_semaphore, #tpu.memory_space<semaphore_mem>>)
        %mul3A_454 = arith.constant 128 : i32
        %mul3A_455 = arith.muli %add3A_422, %mul3A_454 : i32
        %add3A_456 = arith.addi %mul3A_4, %mul3A_455 : i32
        %dma_start3A_457 = arith.constant 0 : i32
        %dma_start3A_458 = arith.constant 2 : i32
        %dma_start3A_459 = arith.constant 0 : i32
        %dma_start3A_460 = tpu.memref_slice %arg10[%dma_start3A_458, %dma_start3A_459] : memref<4x128xi32, #tpu.memory_space<vmem>> -> memref<1x128xi32, #tpu.memory_space<vmem>>
        %dma_start3A_461 = tpu.memref_squeeze %dma_start3A_460 : memref<1x128xi32, #tpu.memory_space<vmem>> -> memref<128xi32, #tpu.memory_space<vmem>>
        %dma_start3A_462 = tpu.memref_slice %arg5[%dma_start3A_457, %add3A_456] : memref<1x819200xi32, #tpu.memory_space<hbm>> -> memref<1x128xi32, #tpu.memory_space<hbm>>
        %dma_start3A_463 = tpu.memref_squeeze %dma_start3A_462 : memref<1x128xi32, #tpu.memory_space<hbm>> -> memref<128xi32, #tpu.memory_space<hbm>>
        %dma_start3A_464 = arith.constant 0 : i32
        %dma_start3A_465 = tpu.memref_slice %arg10[%dma_start3A_458, %dma_start3A_464] : memref<4x128xi32, #tpu.memory_space<vmem>> -> memref<1x128xi32, #tpu.memory_space<vmem>>
        %dma_start3A_466 = tpu.memref_squeeze %dma_start3A_465 : memref<1x128xi32, #tpu.memory_space<vmem>> -> memref<128xi32, #tpu.memory_space<vmem>>
        %dma_start3A_467 = tpu.memref_slice %arg5[%dma_start3A_457, %add3A_456] : memref<1x819200xi32, #tpu.memory_space<hbm>> -> memref<1x128xi32, #tpu.memory_space<hbm>>
        %dma_start3A_468 = tpu.memref_squeeze %dma_start3A_467 : memref<1x128xi32, #tpu.memory_space<hbm>> -> memref<128xi32, #tpu.memory_space<hbm>>
        tpu.enqueue_dma source(%dma_start3A_468 : memref<128xi32, #tpu.memory_space<hbm>>) target(%dma_start3A_466 : memref<128xi32, #tpu.memory_space<vmem>>) target_semaphore(%arg21 : memref<!tpu.dma_semaphore, #tpu.memory_space<semaphore_mem>>)
      } else {
      }
      %add3A_196 = arith.constant 1 : i32
      %add3A_197 = arith.addi %add3A_123, %add3A_196 : i32
      %dma_wait3A_198 = arith.constant 1 : i32
      %dma_wait3A_199 = arith.constant 0 : i32
      %dma_wait3A_200 = arith.constant 0 : i32
      %dma_wait3A_201 = tpu.memref_slice %arg8[%dma_wait3A_198, %dma_wait3A_199, %dma_wait3A_200] : memref<4x128x128xf32, #tpu.memory_space<vmem>> -> memref<1x128x128xf32, #tpu.memory_space<vmem>>
      %dma_wait3A_202 = tpu.memref_squeeze %dma_wait3A_201 : memref<1x128x128xf32, #tpu.memory_space<vmem>> -> memref<128x128xf32, #tpu.memory_space<vmem>>
      %dma_wait3A_203 = arith.constant 0 : i32
      %dma_wait3A_204 = tpu.memref_slice %arg3[%mul3A_4, %dma_wait3A_203] : memref<819200x128xf32, #tpu.memory_space<hbm>> -> memref<128x128xf32, #tpu.memory_space<hbm>>
      %dma_wait3A_205 = arith.constant 0 : i32
      %dma_wait3A_206 = arith.constant 0 : i32
      %dma_wait3A_207 = tpu.memref_slice %arg8[%dma_wait3A_198, %dma_wait3A_205, %dma_wait3A_206] : memref<4x128x128xf32, #tpu.memory_space<vmem>> -> memref<1x128x128xf32, #tpu.memory_space<vmem>>
      %dma_wait3A_208 = tpu.memref_squeeze %dma_wait3A_207 : memref<1x128x128xf32, #tpu.memory_space<vmem>> -> memref<128x128xf32, #tpu.memory_space<vmem>>
      %dma_wait3A_209 = arith.constant 0 : i32
      %dma_wait3A_210 = tpu.memref_slice %arg3[%mul3A_4, %dma_wait3A_209] : memref<819200x128xf32, #tpu.memory_space<hbm>> -> memref<128x128xf32, #tpu.memory_space<hbm>>
      tpu.wait_dma2 semaphore(%arg12 : memref<!tpu.dma_semaphore, #tpu.memory_space<semaphore_mem>>) src(%dma_wait3A_210 : memref<128x128xf32, #tpu.memory_space<hbm>>) dst(%dma_wait3A_208 : memref<128x128xf32, #tpu.memory_space<vmem>>)
      %dma_wait3A_211 = arith.constant 0 : i32
      %dma_wait3A_212 = arith.constant 1 : i32
      %dma_wait3A_213 = arith.constant 0 : i32
      %dma_wait3A_214 = tpu.memref_slice %arg9[%dma_wait3A_212, %dma_wait3A_213] : memref<4x128xi32, #tpu.memory_space<vmem>> -> memref<1x128xi32, #tpu.memory_space<vmem>>
      %dma_wait3A_215 = tpu.memref_squeeze %dma_wait3A_214 : memref<1x128xi32, #tpu.memory_space<vmem>> -> memref<128xi32, #tpu.memory_space<vmem>>
      %dma_wait3A_216 = arith.constant 0 : i32
      %dma_wait3A_217 = tpu.memref_slice %arg4[%dma_wait3A_211, %dma_wait3A_216] : memref<1x819200xi32, #tpu.memory_space<hbm>> -> memref<1x128xi32, #tpu.memory_space<hbm>>
      %dma_wait3A_218 = tpu.memref_squeeze %dma_wait3A_217 : memref<1x128xi32, #tpu.memory_space<hbm>> -> memref<128xi32, #tpu.memory_space<hbm>>
      %dma_wait3A_219 = arith.constant 0 : i32
      %dma_wait3A_220 = tpu.memref_slice %arg9[%dma_wait3A_212, %dma_wait3A_219] : memref<4x128xi32, #tpu.memory_space<vmem>> -> memref<1x128xi32, #tpu.memory_space<vmem>>
      %dma_wait3A_221 = tpu.memref_squeeze %dma_wait3A_220 : memref<1x128xi32, #tpu.memory_space<vmem>> -> memref<128xi32, #tpu.memory_space<vmem>>
      %dma_wait3A_222 = arith.constant 0 : i32
      %dma_wait3A_223 = tpu.memref_slice %arg4[%dma_wait3A_211, %dma_wait3A_222] : memref<1x819200xi32, #tpu.memory_space<hbm>> -> memref<1x128xi32, #tpu.memory_space<hbm>>
      %dma_wait3A_224 = tpu.memref_squeeze %dma_wait3A_223 : memref<1x128xi32, #tpu.memory_space<hbm>> -> memref<128xi32, #tpu.memory_space<hbm>>
      tpu.wait_dma2 semaphore(%arg16 : memref<!tpu.dma_semaphore, #tpu.memory_space<semaphore_mem>>) src(%dma_wait3A_224 : memref<128xi32, #tpu.memory_space<hbm>>) dst(%dma_wait3A_221 : memref<128xi32, #tpu.memory_space<vmem>>)
      %dma_wait3A_225 = arith.constant 0 : i32
      %dma_wait3A_226 = arith.constant 1 : i32
      %dma_wait3A_227 = arith.constant 0 : i32
      %dma_wait3A_228 = tpu.memref_slice %arg10[%dma_wait3A_226, %dma_wait3A_227] : memref<4x128xi32, #tpu.memory_space<vmem>> -> memref<1x128xi32, #tpu.memory_space<vmem>>
      %dma_wait3A_229 = tpu.memref_squeeze %dma_wait3A_228 : memref<1x128xi32, #tpu.memory_space<vmem>> -> memref<128xi32, #tpu.memory_space<vmem>>
      %dma_wait3A_230 = arith.constant 0 : i32
      %dma_wait3A_231 = tpu.memref_slice %arg5[%dma_wait3A_225, %dma_wait3A_230] : memref<1x819200xi32, #tpu.memory_space<hbm>> -> memref<1x128xi32, #tpu.memory_space<hbm>>
      %dma_wait3A_232 = tpu.memref_squeeze %dma_wait3A_231 : memref<1x128xi32, #tpu.memory_space<hbm>> -> memref<128xi32, #tpu.memory_space<hbm>>
      %dma_wait3A_233 = arith.constant 0 : i32
      %dma_wait3A_234 = tpu.memref_slice %arg10[%dma_wait3A_226, %dma_wait3A_233] : memref<4x128xi32, #tpu.memory_space<vmem>> -> memref<1x128xi32, #tpu.memory_space<vmem>>
      %dma_wait3A_235 = tpu.memref_squeeze %dma_wait3A_234 : memref<1x128xi32, #tpu.memory_space<vmem>> -> memref<128xi32, #tpu.memory_space<vmem>>
      %dma_wait3A_236 = arith.constant 0 : i32
      %dma_wait3A_237 = tpu.memref_slice %arg5[%dma_wait3A_225, %dma_wait3A_236] : memref<1x819200xi32, #tpu.memory_space<hbm>> -> memref<1x128xi32, #tpu.memory_space<hbm>>
      %dma_wait3A_238 = tpu.memref_squeeze %dma_wait3A_237 : memref<1x128xi32, #tpu.memory_space<hbm>> -> memref<128xi32, #tpu.memory_space<hbm>>
      tpu.wait_dma2 semaphore(%arg20 : memref<!tpu.dma_semaphore, #tpu.memory_space<semaphore_mem>>) src(%dma_wait3A_238 : memref<128xi32, #tpu.memory_space<hbm>>) dst(%dma_wait3A_235 : memref<128xi32, #tpu.memory_space<vmem>>)
      %run_scoped3A_239 = arith.constant 1 : i32
      %run_scoped3A_240 = arith.constant 1 : i32
      "tpu.region"() ({
        %run_scoped3A_421 = tpu.sem_alloc : memref<!tpu.dma_semaphore, #tpu.memory_space<semaphore_mem>>
        %dma_start3A_422 = arith.constant 0 : i32
        %dma_start3A_423 = arith.constant 0 : i32
        %dma_start3A_424 = tpu.memref_slice %arg8[%run_scoped3A_240, %dma_start3A_422, %dma_start3A_423] : memref<4x128x128xf32, #tpu.memory_space<vmem>> -> memref<1x128x128xf32, #tpu.memory_space<vmem>>
        %dma_start3A_425 = tpu.memref_squeeze %dma_start3A_424 : memref<1x128x128xf32, #tpu.memory_space<vmem>> -> memref<128x128xf32, #tpu.memory_space<vmem>>
        %dma_start3A_426 = arith.constant 0 : i32
        %dma_start3A_427 = tpu.memref_slice %arg9[%run_scoped3A_239, %dma_start3A_426] : memref<4x128xi32, #tpu.memory_space<vmem>> -> memref<1x128xi32, #tpu.memory_space<vmem>>
        %dma_start3A_428 = tpu.memref_squeeze %dma_start3A_427 : memref<1x128xi32, #tpu.memory_space<vmem>> -> memref<128xi32, #tpu.memory_space<vmem>>
        %dma_start3A_429 = arith.constant 0 : i32
        %dma_start3A_430 = arith.constant 0 : i32
        %dma_start3A_431 = tpu.memref_slice %arg7[%dma_start3A_429, %dma_start3A_430] : memref<1200x128xf32, #tpu.memory_space<vmem_shared>> -> memref<1200x128xf32, #tpu.memory_space<vmem_shared>>
        tpu.enqueue_indirect_dma source(%dma_start3A_431 : memref<1200x128xf32, #tpu.memory_space<vmem_shared>>) target(%dma_start3A_425 : memref<128x128xf32, #tpu.memory_space<vmem>>) offsets(%dma_start3A_428 : memref<128xi32, #tpu.memory_space<vmem>>) semaphore(%run_scoped3A_421 : memref<!tpu.dma_semaphore, #tpu.memory_space<semaphore_mem>>) {add = true}
        %dma_wait3A_432 = arith.constant 0 : i32
        %dma_wait3A_433 = arith.constant 0 : i32
        %dma_wait3A_434 = tpu.memref_slice %arg8[%run_scoped3A_240, %dma_wait3A_432, %dma_wait3A_433] : memref<4x128x128xf32, #tpu.memory_space<vmem>> -> memref<1x128x128xf32, #tpu.memory_space<vmem>>
        %dma_wait3A_435 = tpu.memref_squeeze %dma_wait3A_434 : memref<1x128x128xf32, #tpu.memory_space<vmem>> -> memref<128x128xf32, #tpu.memory_space<vmem>>
        %dma_wait3A_436 = arith.constant 0 : i32
        %dma_wait3A_437 = tpu.memref_slice %arg9[%run_scoped3A_239, %dma_wait3A_436] : memref<4x128xi32, #tpu.memory_space<vmem>> -> memref<1x128xi32, #tpu.memory_space<vmem>>
        %dma_wait3A_438 = tpu.memref_squeeze %dma_wait3A_437 : memref<1x128xi32, #tpu.memory_space<vmem>> -> memref<128xi32, #tpu.memory_space<vmem>>
        %dma_wait3A_439 = arith.constant 0 : i32
        %dma_wait3A_440 = arith.constant 0 : i32
        %dma_wait3A_441 = tpu.memref_slice %arg7[%dma_wait3A_439, %dma_wait3A_440] : memref<1200x128xf32, #tpu.memory_space<vmem_shared>> -> memref<1200x128xf32, #tpu.memory_space<vmem_shared>>
        tpu.wait_indirect_dma semaphore(%run_scoped3A_421 : memref<!tpu.dma_semaphore, #tpu.memory_space<semaphore_mem>>) src(%dma_wait3A_441 : memref<1200x128xf32, #tpu.memory_space<vmem_shared>>) dst(%dma_wait3A_435 : memref<128x128xf32, #tpu.memory_space<vmem>>)
        tpu.yield
      }) : () -> ()
      %run_scoped3A_241 = arith.constant 1 : i32
      %run_scoped3A_242 = arith.constant 1 : i32
      "tpu.region"() ({
        %run_scoped3A_421 = tpu.sem_alloc : memref<!tpu.dma_semaphore, #tpu.memory_space<semaphore_mem>>
        %dma_start3A_422 = arith.constant 0 : i32
        %dma_start3A_423 = arith.constant 0 : i32
        %dma_start3A_424 = tpu.memref_slice %arg8[%run_scoped3A_242, %dma_start3A_422, %dma_start3A_423] : memref<4x128x128xf32, #tpu.memory_space<vmem>> -> memref<1x128x128xf32, #tpu.memory_space<vmem>>
        %dma_start3A_425 = tpu.memref_squeeze %dma_start3A_424 : memref<1x128x128xf32, #tpu.memory_space<vmem>> -> memref<128x128xf32, #tpu.memory_space<vmem>>
        %dma_start3A_426 = arith.constant 0 : i32
        %dma_start3A_427 = tpu.memref_slice %arg10[%run_scoped3A_241, %dma_start3A_426] : memref<4x128xi32, #tpu.memory_space<vmem>> -> memref<1x128xi32, #tpu.memory_space<vmem>>
        %dma_start3A_428 = tpu.memref_squeeze %dma_start3A_427 : memref<1x128xi32, #tpu.memory_space<vmem>> -> memref<128xi32, #tpu.memory_space<vmem>>
        %dma_start3A_429 = arith.constant 0 : i32
        %dma_start3A_430 = arith.constant 0 : i32
        %dma_start3A_431 = tpu.memref_slice %arg7[%dma_start3A_429, %dma_start3A_430] : memref<1200x128xf32, #tpu.memory_space<vmem_shared>> -> memref<1200x128xf32, #tpu.memory_space<vmem_shared>>
        tpu.enqueue_indirect_dma source(%dma_start3A_431 : memref<1200x128xf32, #tpu.memory_space<vmem_shared>>) target(%dma_start3A_425 : memref<128x128xf32, #tpu.memory_space<vmem>>) offsets(%dma_start3A_428 : memref<128xi32, #tpu.memory_space<vmem>>) semaphore(%run_scoped3A_421 : memref<!tpu.dma_semaphore, #tpu.memory_space<semaphore_mem>>) {add = true}
        %dma_wait3A_432 = arith.constant 0 : i32
        %dma_wait3A_433 = arith.constant 0 : i32
        %dma_wait3A_434 = tpu.memref_slice %arg8[%run_scoped3A_242, %dma_wait3A_432, %dma_wait3A_433] : memref<4x128x128xf32, #tpu.memory_space<vmem>> -> memref<1x128x128xf32, #tpu.memory_space<vmem>>
        %dma_wait3A_435 = tpu.memref_squeeze %dma_wait3A_434 : memref<1x128x128xf32, #tpu.memory_space<vmem>> -> memref<128x128xf32, #tpu.memory_space<vmem>>
        %dma_wait3A_436 = arith.constant 0 : i32
        %dma_wait3A_437 = tpu.memref_slice %arg10[%run_scoped3A_241, %dma_wait3A_436] : memref<4x128xi32, #tpu.memory_space<vmem>> -> memref<1x128xi32, #tpu.memory_space<vmem>>
        %dma_wait3A_438 = tpu.memref_squeeze %dma_wait3A_437 : memref<1x128xi32, #tpu.memory_space<vmem>> -> memref<128xi32, #tpu.memory_space<vmem>>
        %dma_wait3A_439 = arith.constant 0 : i32
        %dma_wait3A_440 = arith.constant 0 : i32
        %dma_wait3A_441 = tpu.memref_slice %arg7[%dma_wait3A_439, %dma_wait3A_440] : memref<1200x128xf32, #tpu.memory_space<vmem_shared>> -> memref<1200x128xf32, #tpu.memory_space<vmem_shared>>
        tpu.wait_indirect_dma semaphore(%run_scoped3A_421 : memref<!tpu.dma_semaphore, #tpu.memory_space<semaphore_mem>>) src(%dma_wait3A_441 : memref<1200x128xf32, #tpu.memory_space<vmem_shared>>) dst(%dma_wait3A_435 : memref<128x128xf32, #tpu.memory_space<vmem>>)
        tpu.yield
      }) : () -> ()
      %mul3A_243 = arith.constant 128 : i32
      %mul3A_244 = arith.muli %add3A_197, %mul3A_243 : i32
      %add3A_245 = arith.addi %mul3A_4, %mul3A_244 : i32
      %dma_start3A_246 = arith.constant 1 : i32
      %dma_start3A_247 = arith.constant 0 : i32
      %dma_start3A_248 = arith.constant 0 : i32
      %dma_start3A_249 = tpu.memref_slice %arg8[%dma_start3A_246, %dma_start3A_247, %dma_start3A_248] : memref<4x128x128xf32, #tpu.memory_space<vmem>> -> memref<1x128x128xf32, #tpu.memory_space<vmem>>
      %dma_start3A_250 = tpu.memref_squeeze %dma_start3A_249 : memref<1x128x128xf32, #tpu.memory_space<vmem>> -> memref<128x128xf32, #tpu.memory_space<vmem>>
      %dma_start3A_251 = arith.constant 0 : i32
      %dma_start3A_252 = tpu.memref_slice %arg6[%add3A_245, %dma_start3A_251] : memref<819200x128xf32, #tpu.memory_space<hbm>> -> memref<128x128xf32, #tpu.memory_space<hbm>>
      %dma_start3A_253 = arith.constant 0 : i32
      %dma_start3A_254 = tpu.memref_slice %arg6[%add3A_245, %dma_start3A_253] : memref<819200x128xf32, #tpu.memory_space<hbm>> -> memref<128x128xf32, #tpu.memory_space<hbm>>
      %dma_start3A_255 = arith.constant 0 : i32
      %dma_start3A_256 = arith.constant 0 : i32
      %dma_start3A_257 = tpu.memref_slice %arg8[%dma_start3A_246, %dma_start3A_255, %dma_start3A_256] : memref<4x128x128xf32, #tpu.memory_space<vmem>> -> memref<1x128x128xf32, #tpu.memory_space<vmem>>
      %dma_start3A_258 = tpu.memref_squeeze %dma_start3A_257 : memref<1x128x128xf32, #tpu.memory_space<vmem>> -> memref<128x128xf32, #tpu.memory_space<vmem>>
      tpu.enqueue_dma source(%dma_start3A_258 : memref<128x128xf32, #tpu.memory_space<vmem>>) target(%dma_start3A_254 : memref<128x128xf32, #tpu.memory_space<hbm>>) target_semaphore(%arg24 : memref<!tpu.dma_semaphore, #tpu.memory_space<semaphore_mem>>)
      %ge3A_259 = arith.constant 2 : i32
      %ge3A_260 = arith.cmpi sge, %add3A_197, %ge3A_259 : i32
      %convert_element_type3A_261 = arith.extui %ge3A_260 : i1 to i32
      %cond3A_262 = arith.constant 0 : i32
      %cond3A_263 = arith.cmpi ne, %convert_element_type3A_261, %cond3A_262 : i32
      scf.if %cond3A_263 {
        %dma_wait3A_421 = arith.constant 3 : i32
        %dma_wait3A_422 = arith.constant 0 : i32
        %dma_wait3A_423 = arith.constant 0 : i32
        %dma_wait3A_424 = tpu.memref_slice %arg8[%dma_wait3A_421, %dma_wait3A_422, %dma_wait3A_423] : memref<4x128x128xf32, #tpu.memory_space<vmem>> -> memref<1x128x128xf32, #tpu.memory_space<vmem>>
        %dma_wait3A_425 = tpu.memref_squeeze %dma_wait3A_424 : memref<1x128x128xf32, #tpu.memory_space<vmem>> -> memref<128x128xf32, #tpu.memory_space<vmem>>
        %dma_wait3A_426 = arith.constant 0 : i32
        %dma_wait3A_427 = tpu.memref_slice %arg6[%mul3A_4, %dma_wait3A_426] : memref<819200x128xf32, #tpu.memory_space<hbm>> -> memref<128x128xf32, #tpu.memory_space<hbm>>
        %dma_wait3A_428 = arith.constant 0 : i32
        %dma_wait3A_429 = tpu.memref_slice %arg6[%mul3A_4, %dma_wait3A_428] : memref<819200x128xf32, #tpu.memory_space<hbm>> -> memref<128x128xf32, #tpu.memory_space<hbm>>
        %dma_wait3A_430 = arith.constant 0 : i32
        %dma_wait3A_431 = arith.constant 0 : i32
        %dma_wait3A_432 = tpu.memref_slice %arg8[%dma_wait3A_421, %dma_wait3A_430, %dma_wait3A_431] : memref<4x128x128xf32, #tpu.memory_space<vmem>> -> memref<1x128x128xf32, #tpu.memory_space<vmem>>
        %dma_wait3A_433 = tpu.memref_squeeze %dma_wait3A_432 : memref<1x128x128xf32, #tpu.memory_space<vmem>> -> memref<128x128xf32, #tpu.memory_space<vmem>>
        tpu.wait_dma2 semaphore(%arg26 : memref<!tpu.dma_semaphore, #tpu.memory_space<semaphore_mem>>) src(%dma_wait3A_433 : memref<128x128xf32, #tpu.memory_space<vmem>>) dst(%dma_wait3A_429 : memref<128x128xf32, #tpu.memory_space<hbm>>)
      } else {
      }
      %add3A_264 = arith.constant 2 : i32
      %add3A_265 = arith.addi %add3A_197, %add3A_264 : i32
      %lt3A_266 = arith.constant 200 : i32
      %lt3A_267 = arith.cmpi slt, %add3A_265, %lt3A_266 : i32
      %convert_element_type3A_268 = arith.extui %lt3A_267 : i1 to i32
      %cond3A_269 = arith.constant 0 : i32
      %cond3A_270 = arith.cmpi ne, %convert_element_type3A_268, %cond3A_269 : i32
      scf.if %cond3A_270 {
        %add3A_421 = arith.constant 2 : i32
        %add3A_422 = arith.addi %add3A_197, %add3A_421 : i32
        %mul3A_423 = arith.constant 128 : i32
        %mul3A_424 = arith.muli %add3A_422, %mul3A_423 : i32
        %add3A_425 = arith.addi %mul3A_4, %mul3A_424 : i32
        %dma_start3A_426 = arith.constant 3 : i32
        %dma_start3A_427 = arith.constant 0 : i32
        %dma_start3A_428 = arith.constant 0 : i32
        %dma_start3A_429 = tpu.memref_slice %arg8[%dma_start3A_426, %dma_start3A_427, %dma_start3A_428] : memref<4x128x128xf32, #tpu.memory_space<vmem>> -> memref<1x128x128xf32, #tpu.memory_space<vmem>>
        %dma_start3A_430 = tpu.memref_squeeze %dma_start3A_429 : memref<1x128x128xf32, #tpu.memory_space<vmem>> -> memref<128x128xf32, #tpu.memory_space<vmem>>
        %dma_start3A_431 = arith.constant 0 : i32
        %dma_start3A_432 = tpu.memref_slice %arg3[%add3A_425, %dma_start3A_431] : memref<819200x128xf32, #tpu.memory_space<hbm>> -> memref<128x128xf32, #tpu.memory_space<hbm>>
        %dma_start3A_433 = arith.constant 0 : i32
        %dma_start3A_434 = arith.constant 0 : i32
        %dma_start3A_435 = tpu.memref_slice %arg8[%dma_start3A_426, %dma_start3A_433, %dma_start3A_434] : memref<4x128x128xf32, #tpu.memory_space<vmem>> -> memref<1x128x128xf32, #tpu.memory_space<vmem>>
        %dma_start3A_436 = tpu.memref_squeeze %dma_start3A_435 : memref<1x128x128xf32, #tpu.memory_space<vmem>> -> memref<128x128xf32, #tpu.memory_space<vmem>>
        %dma_start3A_437 = arith.constant 0 : i32
        %dma_start3A_438 = tpu.memref_slice %arg3[%add3A_425, %dma_start3A_437] : memref<819200x128xf32, #tpu.memory_space<hbm>> -> memref<128x128xf32, #tpu.memory_space<hbm>>
        tpu.enqueue_dma source(%dma_start3A_438 : memref<128x128xf32, #tpu.memory_space<hbm>>) target(%dma_start3A_436 : memref<128x128xf32, #tpu.memory_space<vmem>>) target_semaphore(%arg14 : memref<!tpu.dma_semaphore, #tpu.memory_space<semaphore_mem>>)
        %mul3A_439 = arith.constant 128 : i32
        %mul3A_440 = arith.muli %add3A_422, %mul3A_439 : i32
        %add3A_441 = arith.addi %mul3A_4, %mul3A_440 : i32
        %dma_start3A_442 = arith.constant 0 : i32
        %dma_start3A_443 = arith.constant 3 : i32
        %dma_start3A_444 = arith.constant 0 : i32
        %dma_start3A_445 = tpu.memref_slice %arg9[%dma_start3A_443, %dma_start3A_444] : memref<4x128xi32, #tpu.memory_space<vmem>> -> memref<1x128xi32, #tpu.memory_space<vmem>>
        %dma_start3A_446 = tpu.memref_squeeze %dma_start3A_445 : memref<1x128xi32, #tpu.memory_space<vmem>> -> memref<128xi32, #tpu.memory_space<vmem>>
        %dma_start3A_447 = tpu.memref_slice %arg4[%dma_start3A_442, %add3A_441] : memref<1x819200xi32, #tpu.memory_space<hbm>> -> memref<1x128xi32, #tpu.memory_space<hbm>>
        %dma_start3A_448 = tpu.memref_squeeze %dma_start3A_447 : memref<1x128xi32, #tpu.memory_space<hbm>> -> memref<128xi32, #tpu.memory_space<hbm>>
        %dma_start3A_449 = arith.constant 0 : i32
        %dma_start3A_450 = tpu.memref_slice %arg9[%dma_start3A_443, %dma_start3A_449] : memref<4x128xi32, #tpu.memory_space<vmem>> -> memref<1x128xi32, #tpu.memory_space<vmem>>
        %dma_start3A_451 = tpu.memref_squeeze %dma_start3A_450 : memref<1x128xi32, #tpu.memory_space<vmem>> -> memref<128xi32, #tpu.memory_space<vmem>>
        %dma_start3A_452 = tpu.memref_slice %arg4[%dma_start3A_442, %add3A_441] : memref<1x819200xi32, #tpu.memory_space<hbm>> -> memref<1x128xi32, #tpu.memory_space<hbm>>
        %dma_start3A_453 = tpu.memref_squeeze %dma_start3A_452 : memref<1x128xi32, #tpu.memory_space<hbm>> -> memref<128xi32, #tpu.memory_space<hbm>>
        tpu.enqueue_dma source(%dma_start3A_453 : memref<128xi32, #tpu.memory_space<hbm>>) target(%dma_start3A_451 : memref<128xi32, #tpu.memory_space<vmem>>) target_semaphore(%arg18 : memref<!tpu.dma_semaphore, #tpu.memory_space<semaphore_mem>>)
        %mul3A_454 = arith.constant 128 : i32
        %mul3A_455 = arith.muli %add3A_422, %mul3A_454 : i32
        %add3A_456 = arith.addi %mul3A_4, %mul3A_455 : i32
        %dma_start3A_457 = arith.constant 0 : i32
        %dma_start3A_458 = arith.constant 3 : i32
        %dma_start3A_459 = arith.constant 0 : i32
        %dma_start3A_460 = tpu.memref_slice %arg10[%dma_start3A_458, %dma_start3A_459] : memref<4x128xi32, #tpu.memory_space<vmem>> -> memref<1x128xi32, #tpu.memory_space<vmem>>
        %dma_start3A_461 = tpu.memref_squeeze %dma_start3A_460 : memref<1x128xi32, #tpu.memory_space<vmem>> -> memref<128xi32, #tpu.memory_space<vmem>>
        %dma_start3A_462 = tpu.memref_slice %arg5[%dma_start3A_457, %add3A_456] : memref<1x819200xi32, #tpu.memory_space<hbm>> -> memref<1x128xi32, #tpu.memory_space<hbm>>
        %dma_start3A_463 = tpu.memref_squeeze %dma_start3A_462 : memref<1x128xi32, #tpu.memory_space<hbm>> -> memref<128xi32, #tpu.memory_space<hbm>>
        %dma_start3A_464 = arith.constant 0 : i32
        %dma_start3A_465 = tpu.memref_slice %arg10[%dma_start3A_458, %dma_start3A_464] : memref<4x128xi32, #tpu.memory_space<vmem>> -> memref<1x128xi32, #tpu.memory_space<vmem>>
        %dma_start3A_466 = tpu.memref_squeeze %dma_start3A_465 : memref<1x128xi32, #tpu.memory_space<vmem>> -> memref<128xi32, #tpu.memory_space<vmem>>
        %dma_start3A_467 = tpu.memref_slice %arg5[%dma_start3A_457, %add3A_456] : memref<1x819200xi32, #tpu.memory_space<hbm>> -> memref<1x128xi32, #tpu.memory_space<hbm>>
        %dma_start3A_468 = tpu.memref_squeeze %dma_start3A_467 : memref<1x128xi32, #tpu.memory_space<hbm>> -> memref<128xi32, #tpu.memory_space<hbm>>
        tpu.enqueue_dma source(%dma_start3A_468 : memref<128xi32, #tpu.memory_space<hbm>>) target(%dma_start3A_466 : memref<128xi32, #tpu.memory_space<vmem>>) target_semaphore(%arg22 : memref<!tpu.dma_semaphore, #tpu.memory_space<semaphore_mem>>)
      } else {
      }
      %add3A_271 = arith.constant 2 : i32
      %add3A_272 = arith.addi %add3A_123, %add3A_271 : i32
      %dma_wait3A_273 = arith.constant 2 : i32
      %dma_wait3A_274 = arith.constant 0 : i32
      %dma_wait3A_275 = arith.constant 0 : i32
      %dma_wait3A_276 = tpu.memref_slice %arg8[%dma_wait3A_273, %dma_wait3A_274, %dma_wait3A_275] : memref<4x128x128xf32, #tpu.memory_space<vmem>> -> memref<1x128x128xf32, #tpu.memory_space<vmem>>
      %dma_wait3A_277 = tpu.memref_squeeze %dma_wait3A_276 : memref<1x128x128xf32, #tpu.memory_space<vmem>> -> memref<128x128xf32, #tpu.memory_space<vmem>>
      %dma_wait3A_278 = arith.constant 0 : i32
      %dma_wait3A_279 = tpu.memref_slice %arg3[%mul3A_4, %dma_wait3A_278] : memref<819200x128xf32, #tpu.memory_space<hbm>> -> memref<128x128xf32, #tpu.memory_space<hbm>>
      %dma_wait3A_280 = arith.constant 0 : i32
      %dma_wait3A_281 = arith.constant 0 : i32
      %dma_wait3A_282 = tpu.memref_slice %arg8[%dma_wait3A_273, %dma_wait3A_280, %dma_wait3A_281] : memref<4x128x128xf32, #tpu.memory_space<vmem>> -> memref<1x128x128xf32, #tpu.memory_space<vmem>>
      %dma_wait3A_283 = tpu.memref_squeeze %dma_wait3A_282 : memref<1x128x128xf32, #tpu.memory_space<vmem>> -> memref<128x128xf32, #tpu.memory_space<vmem>>
      %dma_wait3A_284 = arith.constant 0 : i32
      %dma_wait3A_285 = tpu.memref_slice %arg3[%mul3A_4, %dma_wait3A_284] : memref<819200x128xf32, #tpu.memory_space<hbm>> -> memref<128x128xf32, #tpu.memory_space<hbm>>
      tpu.wait_dma2 semaphore(%arg13 : memref<!tpu.dma_semaphore, #tpu.memory_space<semaphore_mem>>) src(%dma_wait3A_285 : memref<128x128xf32, #tpu.memory_space<hbm>>) dst(%dma_wait3A_283 : memref<128x128xf32, #tpu.memory_space<vmem>>)
      %dma_wait3A_286 = arith.constant 0 : i32
      %dma_wait3A_287 = arith.constant 2 : i32
      %dma_wait3A_288 = arith.constant 0 : i32
      %dma_wait3A_289 = tpu.memref_slice %arg9[%dma_wait3A_287, %dma_wait3A_288] : memref<4x128xi32, #tpu.memory_space<vmem>> -> memref<1x128xi32, #tpu.memory_space<vmem>>
      %dma_wait3A_290 = tpu.memref_squeeze %dma_wait3A_289 : memref<1x128xi32, #tpu.memory_space<vmem>> -> memref<128xi32, #tpu.memory_space<vmem>>
      %dma_wait3A_291 = arith.constant 0 : i32
      %dma_wait3A_292 = tpu.memref_slice %arg4[%dma_wait3A_286, %dma_wait3A_291] : memref<1x819200xi32, #tpu.memory_space<hbm>> -> memref<1x128xi32, #tpu.memory_space<hbm>>
      %dma_wait3A_293 = tpu.memref_squeeze %dma_wait3A_292 : memref<1x128xi32, #tpu.memory_space<hbm>> -> memref<128xi32, #tpu.memory_space<hbm>>
      %dma_wait3A_294 = arith.constant 0 : i32
      %dma_wait3A_295 = tpu.memref_slice %arg9[%dma_wait3A_287, %dma_wait3A_294] : memref<4x128xi32, #tpu.memory_space<vmem>> -> memref<1x128xi32, #tpu.memory_space<vmem>>
      %dma_wait3A_296 = tpu.memref_squeeze %dma_wait3A_295 : memref<1x128xi32, #tpu.memory_space<vmem>> -> memref<128xi32, #tpu.memory_space<vmem>>
      %dma_wait3A_297 = arith.constant 0 : i32
      %dma_wait3A_298 = tpu.memref_slice %arg4[%dma_wait3A_286, %dma_wait3A_297] : memref<1x819200xi32, #tpu.memory_space<hbm>> -> memref<1x128xi32, #tpu.memory_space<hbm>>
      %dma_wait3A_299 = tpu.memref_squeeze %dma_wait3A_298 : memref<1x128xi32, #tpu.memory_space<hbm>> -> memref<128xi32, #tpu.memory_space<hbm>>
      tpu.wait_dma2 semaphore(%arg17 : memref<!tpu.dma_semaphore, #tpu.memory_space<semaphore_mem>>) src(%dma_wait3A_299 : memref<128xi32, #tpu.memory_space<hbm>>) dst(%dma_wait3A_296 : memref<128xi32, #tpu.memory_space<vmem>>)
      %dma_wait3A_300 = arith.constant 0 : i32
      %dma_wait3A_301 = arith.constant 2 : i32
      %dma_wait3A_302 = arith.constant 0 : i32
      %dma_wait3A_303 = tpu.memref_slice %arg10[%dma_wait3A_301, %dma_wait3A_302] : memref<4x128xi32, #tpu.memory_space<vmem>> -> memref<1x128xi32, #tpu.memory_space<vmem>>
      %dma_wait3A_304 = tpu.memref_squeeze %dma_wait3A_303 : memref<1x128xi32, #tpu.memory_space<vmem>> -> memref<128xi32, #tpu.memory_space<vmem>>
      %dma_wait3A_305 = arith.constant 0 : i32
      %dma_wait3A_306 = tpu.memref_slice %arg5[%dma_wait3A_300, %dma_wait3A_305] : memref<1x819200xi32, #tpu.memory_space<hbm>> -> memref<1x128xi32, #tpu.memory_space<hbm>>
      %dma_wait3A_307 = tpu.memref_squeeze %dma_wait3A_306 : memref<1x128xi32, #tpu.memory_space<hbm>> -> memref<128xi32, #tpu.memory_space<hbm>>
      %dma_wait3A_308 = arith.constant 0 : i32
      %dma_wait3A_309 = tpu.memref_slice %arg10[%dma_wait3A_301, %dma_wait3A_308] : memref<4x128xi32, #tpu.memory_space<vmem>> -> memref<1x128xi32, #tpu.memory_space<vmem>>
      %dma_wait3A_310 = tpu.memref_squeeze %dma_wait3A_309 : memref<1x128xi32, #tpu.memory_space<vmem>> -> memref<128xi32, #tpu.memory_space<vmem>>
      %dma_wait3A_311 = arith.constant 0 : i32
      %dma_wait3A_312 = tpu.memref_slice %arg5[%dma_wait3A_300, %dma_wait3A_311] : memref<1x819200xi32, #tpu.memory_space<hbm>> -> memref<1x128xi32, #tpu.memory_space<hbm>>
      %dma_wait3A_313 = tpu.memref_squeeze %dma_wait3A_312 : memref<1x128xi32, #tpu.memory_space<hbm>> -> memref<128xi32, #tpu.memory_space<hbm>>
      tpu.wait_dma2 semaphore(%arg21 : memref<!tpu.dma_semaphore, #tpu.memory_space<semaphore_mem>>) src(%dma_wait3A_313 : memref<128xi32, #tpu.memory_space<hbm>>) dst(%dma_wait3A_310 : memref<128xi32, #tpu.memory_space<vmem>>)
      %run_scoped3A_314 = arith.constant 2 : i32
      %run_scoped3A_315 = arith.constant 2 : i32
      "tpu.region"() ({
        %run_scoped3A_421 = tpu.sem_alloc : memref<!tpu.dma_semaphore, #tpu.memory_space<semaphore_mem>>
        %dma_start3A_422 = arith.constant 0 : i32
        %dma_start3A_423 = arith.constant 0 : i32
        %dma_start3A_424 = tpu.memref_slice %arg8[%run_scoped3A_315, %dma_start3A_422, %dma_start3A_423] : memref<4x128x128xf32, #tpu.memory_space<vmem>> -> memref<1x128x128xf32, #tpu.memory_space<vmem>>
        %dma_start3A_425 = tpu.memref_squeeze %dma_start3A_424 : memref<1x128x128xf32, #tpu.memory_space<vmem>> -> memref<128x128xf32, #tpu.memory_space<vmem>>
        %dma_start3A_426 = arith.constant 0 : i32
        %dma_start3A_427 = tpu.memref_slice %arg9[%run_scoped3A_314, %dma_start3A_426] : memref<4x128xi32, #tpu.memory_space<vmem>> -> memref<1x128xi32, #tpu.memory_space<vmem>>
        %dma_start3A_428 = tpu.memref_squeeze %dma_start3A_427 : memref<1x128xi32, #tpu.memory_space<vmem>> -> memref<128xi32, #tpu.memory_space<vmem>>
        %dma_start3A_429 = arith.constant 0 : i32
        %dma_start3A_430 = arith.constant 0 : i32
        %dma_start3A_431 = tpu.memref_slice %arg7[%dma_start3A_429, %dma_start3A_430] : memref<1200x128xf32, #tpu.memory_space<vmem_shared>> -> memref<1200x128xf32, #tpu.memory_space<vmem_shared>>
        tpu.enqueue_indirect_dma source(%dma_start3A_431 : memref<1200x128xf32, #tpu.memory_space<vmem_shared>>) target(%dma_start3A_425 : memref<128x128xf32, #tpu.memory_space<vmem>>) offsets(%dma_start3A_428 : memref<128xi32, #tpu.memory_space<vmem>>) semaphore(%run_scoped3A_421 : memref<!tpu.dma_semaphore, #tpu.memory_space<semaphore_mem>>) {add = true}
        %dma_wait3A_432 = arith.constant 0 : i32
        %dma_wait3A_433 = arith.constant 0 : i32
        %dma_wait3A_434 = tpu.memref_slice %arg8[%run_scoped3A_315, %dma_wait3A_432, %dma_wait3A_433] : memref<4x128x128xf32, #tpu.memory_space<vmem>> -> memref<1x128x128xf32, #tpu.memory_space<vmem>>
        %dma_wait3A_435 = tpu.memref_squeeze %dma_wait3A_434 : memref<1x128x128xf32, #tpu.memory_space<vmem>> -> memref<128x128xf32, #tpu.memory_space<vmem>>
        %dma_wait3A_436 = arith.constant 0 : i32
        %dma_wait3A_437 = tpu.memref_slice %arg9[%run_scoped3A_314, %dma_wait3A_436] : memref<4x128xi32, #tpu.memory_space<vmem>> -> memref<1x128xi32, #tpu.memory_space<vmem>>
        %dma_wait3A_438 = tpu.memref_squeeze %dma_wait3A_437 : memref<1x128xi32, #tpu.memory_space<vmem>> -> memref<128xi32, #tpu.memory_space<vmem>>
        %dma_wait3A_439 = arith.constant 0 : i32
        %dma_wait3A_440 = arith.constant 0 : i32
        %dma_wait3A_441 = tpu.memref_slice %arg7[%dma_wait3A_439, %dma_wait3A_440] : memref<1200x128xf32, #tpu.memory_space<vmem_shared>> -> memref<1200x128xf32, #tpu.memory_space<vmem_shared>>
        tpu.wait_indirect_dma semaphore(%run_scoped3A_421 : memref<!tpu.dma_semaphore, #tpu.memory_space<semaphore_mem>>) src(%dma_wait3A_441 : memref<1200x128xf32, #tpu.memory_space<vmem_shared>>) dst(%dma_wait3A_435 : memref<128x128xf32, #tpu.memory_space<vmem>>)
        tpu.yield
      }) : () -> ()
      %run_scoped3A_316 = arith.constant 2 : i32
      %run_scoped3A_317 = arith.constant 2 : i32
      "tpu.region"() ({
        %run_scoped3A_421 = tpu.sem_alloc : memref<!tpu.dma_semaphore, #tpu.memory_space<semaphore_mem>>
        %dma_start3A_422 = arith.constant 0 : i32
        %dma_start3A_423 = arith.constant 0 : i32
        %dma_start3A_424 = tpu.memref_slice %arg8[%run_scoped3A_317, %dma_start3A_422, %dma_start3A_423] : memref<4x128x128xf32, #tpu.memory_space<vmem>> -> memref<1x128x128xf32, #tpu.memory_space<vmem>>
        %dma_start3A_425 = tpu.memref_squeeze %dma_start3A_424 : memref<1x128x128xf32, #tpu.memory_space<vmem>> -> memref<128x128xf32, #tpu.memory_space<vmem>>
        %dma_start3A_426 = arith.constant 0 : i32
        %dma_start3A_427 = tpu.memref_slice %arg10[%run_scoped3A_316, %dma_start3A_426] : memref<4x128xi32, #tpu.memory_space<vmem>> -> memref<1x128xi32, #tpu.memory_space<vmem>>
        %dma_start3A_428 = tpu.memref_squeeze %dma_start3A_427 : memref<1x128xi32, #tpu.memory_space<vmem>> -> memref<128xi32, #tpu.memory_space<vmem>>
        %dma_start3A_429 = arith.constant 0 : i32
        %dma_start3A_430 = arith.constant 0 : i32
        %dma_start3A_431 = tpu.memref_slice %arg7[%dma_start3A_429, %dma_start3A_430] : memref<1200x128xf32, #tpu.memory_space<vmem_shared>> -> memref<1200x128xf32, #tpu.memory_space<vmem_shared>>
        tpu.enqueue_indirect_dma source(%dma_start3A_431 : memref<1200x128xf32, #tpu.memory_space<vmem_shared>>) target(%dma_start3A_425 : memref<128x128xf32, #tpu.memory_space<vmem>>) offsets(%dma_start3A_428 : memref<128xi32, #tpu.memory_space<vmem>>) semaphore(%run_scoped3A_421 : memref<!tpu.dma_semaphore, #tpu.memory_space<semaphore_mem>>) {add = true}
        %dma_wait3A_432 = arith.constant 0 : i32
        %dma_wait3A_433 = arith.constant 0 : i32
        %dma_wait3A_434 = tpu.memref_slice %arg8[%run_scoped3A_317, %dma_wait3A_432, %dma_wait3A_433] : memref<4x128x128xf32, #tpu.memory_space<vmem>> -> memref<1x128x128xf32, #tpu.memory_space<vmem>>
        %dma_wait3A_435 = tpu.memref_squeeze %dma_wait3A_434 : memref<1x128x128xf32, #tpu.memory_space<vmem>> -> memref<128x128xf32, #tpu.memory_space<vmem>>
        %dma_wait3A_436 = arith.constant 0 : i32
        %dma_wait3A_437 = tpu.memref_slice %arg10[%run_scoped3A_316, %dma_wait3A_436] : memref<4x128xi32, #tpu.memory_space<vmem>> -> memref<1x128xi32, #tpu.memory_space<vmem>>
        %dma_wait3A_438 = tpu.memref_squeeze %dma_wait3A_437 : memref<1x128xi32, #tpu.memory_space<vmem>> -> memref<128xi32, #tpu.memory_space<vmem>>
        %dma_wait3A_439 = arith.constant 0 : i32
        %dma_wait3A_440 = arith.constant 0 : i32
        %dma_wait3A_441 = tpu.memref_slice %arg7[%dma_wait3A_439, %dma_wait3A_440] : memref<1200x128xf32, #tpu.memory_space<vmem_shared>> -> memref<1200x128xf32, #tpu.memory_space<vmem_shared>>
        tpu.wait_indirect_dma semaphore(%run_scoped3A_421 : memref<!tpu.dma_semaphore, #tpu.memory_space<semaphore_mem>>) src(%dma_wait3A_441 : memref<1200x128xf32, #tpu.memory_space<vmem_shared>>) dst(%dma_wait3A_435 : memref<128x128xf32, #tpu.memory_space<vmem>>)
        tpu.yield
      }) : () -> ()
      %mul3A_318 = arith.constant 128 : i32
      %mul3A_319 = arith.muli %add3A_272, %mul3A_318 : i32
      %add3A_320 = arith.addi %mul3A_4, %mul3A_319 : i32
      %dma_start3A_321 = arith.constant 2 : i32
      %dma_start3A_322 = arith.constant 0 : i32
      %dma_start3A_323 = arith.constant 0 : i32
      %dma_start3A_324 = tpu.memref_slice %arg8[%dma_start3A_321, %dma_start3A_322, %dma_start3A_323] : memref<4x128x128xf32, #tpu.memory_space<vmem>> -> memref<1x128x128xf32, #tpu.memory_space<vmem>>
      %dma_start3A_325 = tpu.memref_squeeze %dma_start3A_324 : memref<1x128x128xf32, #tpu.memory_space<vmem>> -> memref<128x128xf32, #tpu.memory_space<vmem>>
      %dma_start3A_326 = arith.constant 0 : i32
      %dma_start3A_327 = tpu.memref_slice %arg6[%add3A_320, %dma_start3A_326] : memref<819200x128xf32, #tpu.memory_space<hbm>> -> memref<128x128xf32, #tpu.memory_space<hbm>>
      %dma_start3A_328 = arith.constant 0 : i32
      %dma_start3A_329 = tpu.memref_slice %arg6[%add3A_320, %dma_start3A_328] : memref<819200x128xf32, #tpu.memory_space<hbm>> -> memref<128x128xf32, #tpu.memory_space<hbm>>
      %dma_start3A_330 = arith.constant 0 : i32
      %dma_start3A_331 = arith.constant 0 : i32
      %dma_start3A_332 = tpu.memref_slice %arg8[%dma_start3A_321, %dma_start3A_330, %dma_start3A_331] : memref<4x128x128xf32, #tpu.memory_space<vmem>> -> memref<1x128x128xf32, #tpu.memory_space<vmem>>
      %dma_start3A_333 = tpu.memref_squeeze %dma_start3A_332 : memref<1x128x128xf32, #tpu.memory_space<vmem>> -> memref<128x128xf32, #tpu.memory_space<vmem>>
      tpu.enqueue_dma source(%dma_start3A_333 : memref<128x128xf32, #tpu.memory_space<vmem>>) target(%dma_start3A_329 : memref<128x128xf32, #tpu.memory_space<hbm>>) target_semaphore(%arg25 : memref<!tpu.dma_semaphore, #tpu.memory_space<semaphore_mem>>)
      %ge3A_334 = arith.constant 2 : i32
      %ge3A_335 = arith.cmpi sge, %add3A_272, %ge3A_334 : i32
      %convert_element_type3A_336 = arith.extui %ge3A_335 : i1 to i32
      %cond3A_337 = arith.constant 0 : i32
      %cond3A_338 = arith.cmpi ne, %convert_element_type3A_336, %cond3A_337 : i32
      scf.if %cond3A_338 {
        %dma_wait3A_421 = arith.constant 0 : i32
        %dma_wait3A_422 = arith.constant 0 : i32
        %dma_wait3A_423 = arith.constant 0 : i32
        %dma_wait3A_424 = tpu.memref_slice %arg8[%dma_wait3A_421, %dma_wait3A_422, %dma_wait3A_423] : memref<4x128x128xf32, #tpu.memory_space<vmem>> -> memref<1x128x128xf32, #tpu.memory_space<vmem>>
        %dma_wait3A_425 = tpu.memref_squeeze %dma_wait3A_424 : memref<1x128x128xf32, #tpu.memory_space<vmem>> -> memref<128x128xf32, #tpu.memory_space<vmem>>
        %dma_wait3A_426 = arith.constant 0 : i32
        %dma_wait3A_427 = tpu.memref_slice %arg6[%mul3A_4, %dma_wait3A_426] : memref<819200x128xf32, #tpu.memory_space<hbm>> -> memref<128x128xf32, #tpu.memory_space<hbm>>
        %dma_wait3A_428 = arith.constant 0 : i32
        %dma_wait3A_429 = tpu.memref_slice %arg6[%mul3A_4, %dma_wait3A_428] : memref<819200x128xf32, #tpu.memory_space<hbm>> -> memref<128x128xf32, #tpu.memory_space<hbm>>
        %dma_wait3A_430 = arith.constant 0 : i32
        %dma_wait3A_431 = arith.constant 0 : i32
        %dma_wait3A_432 = tpu.memref_slice %arg8[%dma_wait3A_421, %dma_wait3A_430, %dma_wait3A_431] : memref<4x128x128xf32, #tpu.memory_space<vmem>> -> memref<1x128x128xf32, #tpu.memory_space<vmem>>
        %dma_wait3A_433 = tpu.memref_squeeze %dma_wait3A_432 : memref<1x128x128xf32, #tpu.memory_space<vmem>> -> memref<128x128xf32, #tpu.memory_space<vmem>>
        tpu.wait_dma2 semaphore(%arg23 : memref<!tpu.dma_semaphore, #tpu.memory_space<semaphore_mem>>) src(%dma_wait3A_433 : memref<128x128xf32, #tpu.memory_space<vmem>>) dst(%dma_wait3A_429 : memref<128x128xf32, #tpu.memory_space<hbm>>)
      } else {
      }
      %add3A_339 = arith.constant 2 : i32
      %add3A_340 = arith.addi %add3A_272, %add3A_339 : i32
      %lt3A_341 = arith.constant 200 : i32
      %lt3A_342 = arith.cmpi slt, %add3A_340, %lt3A_341 : i32
      %convert_element_type3A_343 = arith.extui %lt3A_342 : i1 to i32
      %cond3A_344 = arith.constant 0 : i32
      %cond3A_345 = arith.cmpi ne, %convert_element_type3A_343, %cond3A_344 : i32
      scf.if %cond3A_345 {
        %add3A_421 = arith.constant 2 : i32
        %add3A_422 = arith.addi %add3A_272, %add3A_421 : i32
        %mul3A_423 = arith.constant 128 : i32
        %mul3A_424 = arith.muli %add3A_422, %mul3A_423 : i32
        %add3A_425 = arith.addi %mul3A_4, %mul3A_424 : i32
        %dma_start3A_426 = arith.constant 0 : i32
        %dma_start3A_427 = arith.constant 0 : i32
        %dma_start3A_428 = arith.constant 0 : i32
        %dma_start3A_429 = tpu.memref_slice %arg8[%dma_start3A_426, %dma_start3A_427, %dma_start3A_428] : memref<4x128x128xf32, #tpu.memory_space<vmem>> -> memref<1x128x128xf32, #tpu.memory_space<vmem>>
        %dma_start3A_430 = tpu.memref_squeeze %dma_start3A_429 : memref<1x128x128xf32, #tpu.memory_space<vmem>> -> memref<128x128xf32, #tpu.memory_space<vmem>>
        %dma_start3A_431 = arith.constant 0 : i32
        %dma_start3A_432 = tpu.memref_slice %arg3[%add3A_425, %dma_start3A_431] : memref<819200x128xf32, #tpu.memory_space<hbm>> -> memref<128x128xf32, #tpu.memory_space<hbm>>
        %dma_start3A_433 = arith.constant 0 : i32
        %dma_start3A_434 = arith.constant 0 : i32
        %dma_start3A_435 = tpu.memref_slice %arg8[%dma_start3A_426, %dma_start3A_433, %dma_start3A_434] : memref<4x128x128xf32, #tpu.memory_space<vmem>> -> memref<1x128x128xf32, #tpu.memory_space<vmem>>
        %dma_start3A_436 = tpu.memref_squeeze %dma_start3A_435 : memref<1x128x128xf32, #tpu.memory_space<vmem>> -> memref<128x128xf32, #tpu.memory_space<vmem>>
        %dma_start3A_437 = arith.constant 0 : i32
        %dma_start3A_438 = tpu.memref_slice %arg3[%add3A_425, %dma_start3A_437] : memref<819200x128xf32, #tpu.memory_space<hbm>> -> memref<128x128xf32, #tpu.memory_space<hbm>>
        tpu.enqueue_dma source(%dma_start3A_438 : memref<128x128xf32, #tpu.memory_space<hbm>>) target(%dma_start3A_436 : memref<128x128xf32, #tpu.memory_space<vmem>>) target_semaphore(%arg11 : memref<!tpu.dma_semaphore, #tpu.memory_space<semaphore_mem>>)
        %mul3A_439 = arith.constant 128 : i32
        %mul3A_440 = arith.muli %add3A_422, %mul3A_439 : i32
        %add3A_441 = arith.addi %mul3A_4, %mul3A_440 : i32
        %dma_start3A_442 = arith.constant 0 : i32
        %dma_start3A_443 = arith.constant 0 : i32
        %dma_start3A_444 = arith.constant 0 : i32
        %dma_start3A_445 = tpu.memref_slice %arg9[%dma_start3A_443, %dma_start3A_444] : memref<4x128xi32, #tpu.memory_space<vmem>> -> memref<1x128xi32, #tpu.memory_space<vmem>>
        %dma_start3A_446 = tpu.memref_squeeze %dma_start3A_445 : memref<1x128xi32, #tpu.memory_space<vmem>> -> memref<128xi32, #tpu.memory_space<vmem>>
        %dma_start3A_447 = tpu.memref_slice %arg4[%dma_start3A_442, %add3A_441] : memref<1x819200xi32, #tpu.memory_space<hbm>> -> memref<1x128xi32, #tpu.memory_space<hbm>>
        %dma_start3A_448 = tpu.memref_squeeze %dma_start3A_447 : memref<1x128xi32, #tpu.memory_space<hbm>> -> memref<128xi32, #tpu.memory_space<hbm>>
        %dma_start3A_449 = arith.constant 0 : i32
        %dma_start3A_450 = tpu.memref_slice %arg9[%dma_start3A_443, %dma_start3A_449] : memref<4x128xi32, #tpu.memory_space<vmem>> -> memref<1x128xi32, #tpu.memory_space<vmem>>
        %dma_start3A_451 = tpu.memref_squeeze %dma_start3A_450 : memref<1x128xi32, #tpu.memory_space<vmem>> -> memref<128xi32, #tpu.memory_space<vmem>>
        %dma_start3A_452 = tpu.memref_slice %arg4[%dma_start3A_442, %add3A_441] : memref<1x819200xi32, #tpu.memory_space<hbm>> -> memref<1x128xi32, #tpu.memory_space<hbm>>
        %dma_start3A_453 = tpu.memref_squeeze %dma_start3A_452 : memref<1x128xi32, #tpu.memory_space<hbm>> -> memref<128xi32, #tpu.memory_space<hbm>>
        tpu.enqueue_dma source(%dma_start3A_453 : memref<128xi32, #tpu.memory_space<hbm>>) target(%dma_start3A_451 : memref<128xi32, #tpu.memory_space<vmem>>) target_semaphore(%arg15 : memref<!tpu.dma_semaphore, #tpu.memory_space<semaphore_mem>>)
        %mul3A_454 = arith.constant 128 : i32
        %mul3A_455 = arith.muli %add3A_422, %mul3A_454 : i32
        %add3A_456 = arith.addi %mul3A_4, %mul3A_455 : i32
        %dma_start3A_457 = arith.constant 0 : i32
        %dma_start3A_458 = arith.constant 0 : i32
        %dma_start3A_459 = arith.constant 0 : i32
        %dma_start3A_460 = tpu.memref_slice %arg10[%dma_start3A_458, %dma_start3A_459] : memref<4x128xi32, #tpu.memory_space<vmem>> -> memref<1x128xi32, #tpu.memory_space<vmem>>
        %dma_start3A_461 = tpu.memref_squeeze %dma_start3A_460 : memref<1x128xi32, #tpu.memory_space<vmem>> -> memref<128xi32, #tpu.memory_space<vmem>>
        %dma_start3A_462 = tpu.memref_slice %arg5[%dma_start3A_457, %add3A_456] : memref<1x819200xi32, #tpu.memory_space<hbm>> -> memref<1x128xi32, #tpu.memory_space<hbm>>
        %dma_start3A_463 = tpu.memref_squeeze %dma_start3A_462 : memref<1x128xi32, #tpu.memory_space<hbm>> -> memref<128xi32, #tpu.memory_space<hbm>>
        %dma_start3A_464 = arith.constant 0 : i32
        %dma_start3A_465 = tpu.memref_slice %arg10[%dma_start3A_458, %dma_start3A_464] : memref<4x128xi32, #tpu.memory_space<vmem>> -> memref<1x128xi32, #tpu.memory_space<vmem>>
        %dma_start3A_466 = tpu.memref_squeeze %dma_start3A_465 : memref<1x128xi32, #tpu.memory_space<vmem>> -> memref<128xi32, #tpu.memory_space<vmem>>
        %dma_start3A_467 = tpu.memref_slice %arg5[%dma_start3A_457, %add3A_456] : memref<1x819200xi32, #tpu.memory_space<hbm>> -> memref<1x128xi32, #tpu.memory_space<hbm>>
        %dma_start3A_468 = tpu.memref_squeeze %dma_start3A_467 : memref<1x128xi32, #tpu.memory_space<hbm>> -> memref<128xi32, #tpu.memory_space<hbm>>
        tpu.enqueue_dma source(%dma_start3A_468 : memref<128xi32, #tpu.memory_space<hbm>>) target(%dma_start3A_466 : memref<128xi32, #tpu.memory_space<vmem>>) target_semaphore(%arg19 : memref<!tpu.dma_semaphore, #tpu.memory_space<semaphore_mem>>)
      } else {
      }
      %add3A_346 = arith.constant 3 : i32
      %add3A_347 = arith.addi %add3A_123, %add3A_346 : i32
      %dma_wait3A_348 = arith.constant 3 : i32
      %dma_wait3A_349 = arith.constant 0 : i32
      %dma_wait3A_350 = arith.constant 0 : i32
      %dma_wait3A_351 = tpu.memref_slice %arg8[%dma_wait3A_348, %dma_wait3A_349, %dma_wait3A_350] : memref<4x128x128xf32, #tpu.memory_space<vmem>> -> memref<1x128x128xf32, #tpu.memory_space<vmem>>
      %dma_wait3A_352 = tpu.memref_squeeze %dma_wait3A_351 : memref<1x128x128xf32, #tpu.memory_space<vmem>> -> memref<128x128xf32, #tpu.memory_space<vmem>>
      %dma_wait3A_353 = arith.constant 0 : i32
      %dma_wait3A_354 = tpu.memref_slice %arg3[%mul3A_4, %dma_wait3A_353] : memref<819200x128xf32, #tpu.memory_space<hbm>> -> memref<128x128xf32, #tpu.memory_space<hbm>>
      %dma_wait3A_355 = arith.constant 0 : i32
      %dma_wait3A_356 = arith.constant 0 : i32
      %dma_wait3A_357 = tpu.memref_slice %arg8[%dma_wait3A_348, %dma_wait3A_355, %dma_wait3A_356] : memref<4x128x128xf32, #tpu.memory_space<vmem>> -> memref<1x128x128xf32, #tpu.memory_space<vmem>>
      %dma_wait3A_358 = tpu.memref_squeeze %dma_wait3A_357 : memref<1x128x128xf32, #tpu.memory_space<vmem>> -> memref<128x128xf32, #tpu.memory_space<vmem>>
      %dma_wait3A_359 = arith.constant 0 : i32
      %dma_wait3A_360 = tpu.memref_slice %arg3[%mul3A_4, %dma_wait3A_359] : memref<819200x128xf32, #tpu.memory_space<hbm>> -> memref<128x128xf32, #tpu.memory_space<hbm>>
      tpu.wait_dma2 semaphore(%arg14 : memref<!tpu.dma_semaphore, #tpu.memory_space<semaphore_mem>>) src(%dma_wait3A_360 : memref<128x128xf32, #tpu.memory_space<hbm>>) dst(%dma_wait3A_358 : memref<128x128xf32, #tpu.memory_space<vmem>>)
      %dma_wait3A_361 = arith.constant 0 : i32
      %dma_wait3A_362 = arith.constant 3 : i32
      %dma_wait3A_363 = arith.constant 0 : i32
      %dma_wait3A_364 = tpu.memref_slice %arg9[%dma_wait3A_362, %dma_wait3A_363] : memref<4x128xi32, #tpu.memory_space<vmem>> -> memref<1x128xi32, #tpu.memory_space<vmem>>
      %dma_wait3A_365 = tpu.memref_squeeze %dma_wait3A_364 : memref<1x128xi32, #tpu.memory_space<vmem>> -> memref<128xi32, #tpu.memory_space<vmem>>
      %dma_wait3A_366 = arith.constant 0 : i32
      %dma_wait3A_367 = tpu.memref_slice %arg4[%dma_wait3A_361, %dma_wait3A_366] : memref<1x819200xi32, #tpu.memory_space<hbm>> -> memref<1x128xi32, #tpu.memory_space<hbm>>
      %dma_wait3A_368 = tpu.memref_squeeze %dma_wait3A_367 : memref<1x128xi32, #tpu.memory_space<hbm>> -> memref<128xi32, #tpu.memory_space<hbm>>
      %dma_wait3A_369 = arith.constant 0 : i32
      %dma_wait3A_370 = tpu.memref_slice %arg9[%dma_wait3A_362, %dma_wait3A_369] : memref<4x128xi32, #tpu.memory_space<vmem>> -> memref<1x128xi32, #tpu.memory_space<vmem>>
      %dma_wait3A_371 = tpu.memref_squeeze %dma_wait3A_370 : memref<1x128xi32, #tpu.memory_space<vmem>> -> memref<128xi32, #tpu.memory_space<vmem>>
      %dma_wait3A_372 = arith.constant 0 : i32
      %dma_wait3A_373 = tpu.memref_slice %arg4[%dma_wait3A_361, %dma_wait3A_372] : memref<1x819200xi32, #tpu.memory_space<hbm>> -> memref<1x128xi32, #tpu.memory_space<hbm>>
      %dma_wait3A_374 = tpu.memref_squeeze %dma_wait3A_373 : memref<1x128xi32, #tpu.memory_space<hbm>> -> memref<128xi32, #tpu.memory_space<hbm>>
      tpu.wait_dma2 semaphore(%arg18 : memref<!tpu.dma_semaphore, #tpu.memory_space<semaphore_mem>>) src(%dma_wait3A_374 : memref<128xi32, #tpu.memory_space<hbm>>) dst(%dma_wait3A_371 : memref<128xi32, #tpu.memory_space<vmem>>)
      %dma_wait3A_375 = arith.constant 0 : i32
      %dma_wait3A_376 = arith.constant 3 : i32
      %dma_wait3A_377 = arith.constant 0 : i32
      %dma_wait3A_378 = tpu.memref_slice %arg10[%dma_wait3A_376, %dma_wait3A_377] : memref<4x128xi32, #tpu.memory_space<vmem>> -> memref<1x128xi32, #tpu.memory_space<vmem>>
      %dma_wait3A_379 = tpu.memref_squeeze %dma_wait3A_378 : memref<1x128xi32, #tpu.memory_space<vmem>> -> memref<128xi32, #tpu.memory_space<vmem>>
      %dma_wait3A_380 = arith.constant 0 : i32
      %dma_wait3A_381 = tpu.memref_slice %arg5[%dma_wait3A_375, %dma_wait3A_380] : memref<1x819200xi32, #tpu.memory_space<hbm>> -> memref<1x128xi32, #tpu.memory_space<hbm>>
      %dma_wait3A_382 = tpu.memref_squeeze %dma_wait3A_381 : memref<1x128xi32, #tpu.memory_space<hbm>> -> memref<128xi32, #tpu.memory_space<hbm>>
      %dma_wait3A_383 = arith.constant 0 : i32
      %dma_wait3A_384 = tpu.memref_slice %arg10[%dma_wait3A_376, %dma_wait3A_383] : memref<4x128xi32, #tpu.memory_space<vmem>> -> memref<1x128xi32, #tpu.memory_space<vmem>>
      %dma_wait3A_385 = tpu.memref_squeeze %dma_wait3A_384 : memref<1x128xi32, #tpu.memory_space<vmem>> -> memref<128xi32, #tpu.memory_space<vmem>>
      %dma_wait3A_386 = arith.constant 0 : i32
      %dma_wait3A_387 = tpu.memref_slice %arg5[%dma_wait3A_375, %dma_wait3A_386] : memref<1x819200xi32, #tpu.memory_space<hbm>> -> memref<1x128xi32, #tpu.memory_space<hbm>>
      %dma_wait3A_388 = tpu.memref_squeeze %dma_wait3A_387 : memref<1x128xi32, #tpu.memory_space<hbm>> -> memref<128xi32, #tpu.memory_space<hbm>>
      tpu.wait_dma2 semaphore(%arg22 : memref<!tpu.dma_semaphore, #tpu.memory_space<semaphore_mem>>) src(%dma_wait3A_388 : memref<128xi32, #tpu.memory_space<hbm>>) dst(%dma_wait3A_385 : memref<128xi32, #tpu.memory_space<vmem>>)
      %run_scoped3A_389 = arith.constant 3 : i32
      %run_scoped3A_390 = arith.constant 3 : i32
      "tpu.region"() ({
        %run_scoped3A_421 = tpu.sem_alloc : memref<!tpu.dma_semaphore, #tpu.memory_space<semaphore_mem>>
        %dma_start3A_422 = arith.constant 0 : i32
        %dma_start3A_423 = arith.constant 0 : i32
        %dma_start3A_424 = tpu.memref_slice %arg8[%run_scoped3A_390, %dma_start3A_422, %dma_start3A_423] : memref<4x128x128xf32, #tpu.memory_space<vmem>> -> memref<1x128x128xf32, #tpu.memory_space<vmem>>
        %dma_start3A_425 = tpu.memref_squeeze %dma_start3A_424 : memref<1x128x128xf32, #tpu.memory_space<vmem>> -> memref<128x128xf32, #tpu.memory_space<vmem>>
        %dma_start3A_426 = arith.constant 0 : i32
        %dma_start3A_427 = tpu.memref_slice %arg9[%run_scoped3A_389, %dma_start3A_426] : memref<4x128xi32, #tpu.memory_space<vmem>> -> memref<1x128xi32, #tpu.memory_space<vmem>>
        %dma_start3A_428 = tpu.memref_squeeze %dma_start3A_427 : memref<1x128xi32, #tpu.memory_space<vmem>> -> memref<128xi32, #tpu.memory_space<vmem>>
        %dma_start3A_429 = arith.constant 0 : i32
        %dma_start3A_430 = arith.constant 0 : i32
        %dma_start3A_431 = tpu.memref_slice %arg7[%dma_start3A_429, %dma_start3A_430] : memref<1200x128xf32, #tpu.memory_space<vmem_shared>> -> memref<1200x128xf32, #tpu.memory_space<vmem_shared>>
        tpu.enqueue_indirect_dma source(%dma_start3A_431 : memref<1200x128xf32, #tpu.memory_space<vmem_shared>>) target(%dma_start3A_425 : memref<128x128xf32, #tpu.memory_space<vmem>>) offsets(%dma_start3A_428 : memref<128xi32, #tpu.memory_space<vmem>>) semaphore(%run_scoped3A_421 : memref<!tpu.dma_semaphore, #tpu.memory_space<semaphore_mem>>) {add = true}
        %dma_wait3A_432 = arith.constant 0 : i32
        %dma_wait3A_433 = arith.constant 0 : i32
        %dma_wait3A_434 = tpu.memref_slice %arg8[%run_scoped3A_390, %dma_wait3A_432, %dma_wait3A_433] : memref<4x128x128xf32, #tpu.memory_space<vmem>> -> memref<1x128x128xf32, #tpu.memory_space<vmem>>
        %dma_wait3A_435 = tpu.memref_squeeze %dma_wait3A_434 : memref<1x128x128xf32, #tpu.memory_space<vmem>> -> memref<128x128xf32, #tpu.memory_space<vmem>>
        %dma_wait3A_436 = arith.constant 0 : i32
        %dma_wait3A_437 = tpu.memref_slice %arg9[%run_scoped3A_389, %dma_wait3A_436] : memref<4x128xi32, #tpu.memory_space<vmem>> -> memref<1x128xi32, #tpu.memory_space<vmem>>
        %dma_wait3A_438 = tpu.memref_squeeze %dma_wait3A_437 : memref<1x128xi32, #tpu.memory_space<vmem>> -> memref<128xi32, #tpu.memory_space<vmem>>
        %dma_wait3A_439 = arith.constant 0 : i32
        %dma_wait3A_440 = arith.constant 0 : i32
        %dma_wait3A_441 = tpu.memref_slice %arg7[%dma_wait3A_439, %dma_wait3A_440] : memref<1200x128xf32, #tpu.memory_space<vmem_shared>> -> memref<1200x128xf32, #tpu.memory_space<vmem_shared>>
        tpu.wait_indirect_dma semaphore(%run_scoped3A_421 : memref<!tpu.dma_semaphore, #tpu.memory_space<semaphore_mem>>) src(%dma_wait3A_441 : memref<1200x128xf32, #tpu.memory_space<vmem_shared>>) dst(%dma_wait3A_435 : memref<128x128xf32, #tpu.memory_space<vmem>>)
        tpu.yield
      }) : () -> ()
      %run_scoped3A_391 = arith.constant 3 : i32
      %run_scoped3A_392 = arith.constant 3 : i32
      "tpu.region"() ({
        %run_scoped3A_421 = tpu.sem_alloc : memref<!tpu.dma_semaphore, #tpu.memory_space<semaphore_mem>>
        %dma_start3A_422 = arith.constant 0 : i32
        %dma_start3A_423 = arith.constant 0 : i32
        %dma_start3A_424 = tpu.memref_slice %arg8[%run_scoped3A_392, %dma_start3A_422, %dma_start3A_423] : memref<4x128x128xf32, #tpu.memory_space<vmem>> -> memref<1x128x128xf32, #tpu.memory_space<vmem>>
        %dma_start3A_425 = tpu.memref_squeeze %dma_start3A_424 : memref<1x128x128xf32, #tpu.memory_space<vmem>> -> memref<128x128xf32, #tpu.memory_space<vmem>>
        %dma_start3A_426 = arith.constant 0 : i32
        %dma_start3A_427 = tpu.memref_slice %arg10[%run_scoped3A_391, %dma_start3A_426] : memref<4x128xi32, #tpu.memory_space<vmem>> -> memref<1x128xi32, #tpu.memory_space<vmem>>
        %dma_start3A_428 = tpu.memref_squeeze %dma_start3A_427 : memref<1x128xi32, #tpu.memory_space<vmem>> -> memref<128xi32, #tpu.memory_space<vmem>>
        %dma_start3A_429 = arith.constant 0 : i32
        %dma_start3A_430 = arith.constant 0 : i32
        %dma_start3A_431 = tpu.memref_slice %arg7[%dma_start3A_429, %dma_start3A_430] : memref<1200x128xf32, #tpu.memory_space<vmem_shared>> -> memref<1200x128xf32, #tpu.memory_space<vmem_shared>>
        tpu.enqueue_indirect_dma source(%dma_start3A_431 : memref<1200x128xf32, #tpu.memory_space<vmem_shared>>) target(%dma_start3A_425 : memref<128x128xf32, #tpu.memory_space<vmem>>) offsets(%dma_start3A_428 : memref<128xi32, #tpu.memory_space<vmem>>) semaphore(%run_scoped3A_421 : memref<!tpu.dma_semaphore, #tpu.memory_space<semaphore_mem>>) {add = true}
        %dma_wait3A_432 = arith.constant 0 : i32
        %dma_wait3A_433 = arith.constant 0 : i32
        %dma_wait3A_434 = tpu.memref_slice %arg8[%run_scoped3A_392, %dma_wait3A_432, %dma_wait3A_433] : memref<4x128x128xf32, #tpu.memory_space<vmem>> -> memref<1x128x128xf32, #tpu.memory_space<vmem>>
        %dma_wait3A_435 = tpu.memref_squeeze %dma_wait3A_434 : memref<1x128x128xf32, #tpu.memory_space<vmem>> -> memref<128x128xf32, #tpu.memory_space<vmem>>
        %dma_wait3A_436 = arith.constant 0 : i32
        %dma_wait3A_437 = tpu.memref_slice %arg10[%run_scoped3A_391, %dma_wait3A_436] : memref<4x128xi32, #tpu.memory_space<vmem>> -> memref<1x128xi32, #tpu.memory_space<vmem>>
        %dma_wait3A_438 = tpu.memref_squeeze %dma_wait3A_437 : memref<1x128xi32, #tpu.memory_space<vmem>> -> memref<128xi32, #tpu.memory_space<vmem>>
        %dma_wait3A_439 = arith.constant 0 : i32
        %dma_wait3A_440 = arith.constant 0 : i32
        %dma_wait3A_441 = tpu.memref_slice %arg7[%dma_wait3A_439, %dma_wait3A_440] : memref<1200x128xf32, #tpu.memory_space<vmem_shared>> -> memref<1200x128xf32, #tpu.memory_space<vmem_shared>>
        tpu.wait_indirect_dma semaphore(%run_scoped3A_421 : memref<!tpu.dma_semaphore, #tpu.memory_space<semaphore_mem>>) src(%dma_wait3A_441 : memref<1200x128xf32, #tpu.memory_space<vmem_shared>>) dst(%dma_wait3A_435 : memref<128x128xf32, #tpu.memory_space<vmem>>)
        tpu.yield
      }) : () -> ()
      %mul3A_393 = arith.constant 128 : i32
      %mul3A_394 = arith.muli %add3A_347, %mul3A_393 : i32
      %add3A_395 = arith.addi %mul3A_4, %mul3A_394 : i32
      %dma_start3A_396 = arith.constant 3 : i32
      %dma_start3A_397 = arith.constant 0 : i32
      %dma_start3A_398 = arith.constant 0 : i32
      %dma_start3A_399 = tpu.memref_slice %arg8[%dma_start3A_396, %dma_start3A_397, %dma_start3A_398] : memref<4x128x128xf32, #tpu.memory_space<vmem>> -> memref<1x128x128xf32, #tpu.memory_space<vmem>>
      %dma_start3A_400 = tpu.memref_squeeze %dma_start3A_399 : memref<1x128x128xf32, #tpu.memory_space<vmem>> -> memref<128x128xf32, #tpu.memory_space<vmem>>
      %dma_start3A_401 = arith.constant 0 : i32
      %dma_start3A_402 = tpu.memref_slice %arg6[%add3A_395, %dma_start3A_401] : memref<819200x128xf32, #tpu.memory_space<hbm>> -> memref<128x128xf32, #tpu.memory_space<hbm>>
      %dma_start3A_403 = arith.constant 0 : i32
      %dma_start3A_404 = tpu.memref_slice %arg6[%add3A_395, %dma_start3A_403] : memref<819200x128xf32, #tpu.memory_space<hbm>> -> memref<128x128xf32, #tpu.memory_space<hbm>>
      %dma_start3A_405 = arith.constant 0 : i32
      %dma_start3A_406 = arith.constant 0 : i32
      %dma_start3A_407 = tpu.memref_slice %arg8[%dma_start3A_396, %dma_start3A_405, %dma_start3A_406] : memref<4x128x128xf32, #tpu.memory_space<vmem>> -> memref<1x128x128xf32, #tpu.memory_space<vmem>>
      %dma_start3A_408 = tpu.memref_squeeze %dma_start3A_407 : memref<1x128x128xf32, #tpu.memory_space<vmem>> -> memref<128x128xf32, #tpu.memory_space<vmem>>
      tpu.enqueue_dma source(%dma_start3A_408 : memref<128x128xf32, #tpu.memory_space<vmem>>) target(%dma_start3A_404 : memref<128x128xf32, #tpu.memory_space<hbm>>) target_semaphore(%arg26 : memref<!tpu.dma_semaphore, #tpu.memory_space<semaphore_mem>>)
      %ge3A_409 = arith.constant 2 : i32
      %ge3A_410 = arith.cmpi sge, %add3A_347, %ge3A_409 : i32
      %convert_element_type3A_411 = arith.extui %ge3A_410 : i1 to i32
      %cond3A_412 = arith.constant 0 : i32
      %cond3A_413 = arith.cmpi ne, %convert_element_type3A_411, %cond3A_412 : i32
      scf.if %cond3A_413 {
        %dma_wait3A_421 = arith.constant 1 : i32
        %dma_wait3A_422 = arith.constant 0 : i32
        %dma_wait3A_423 = arith.constant 0 : i32
        %dma_wait3A_424 = tpu.memref_slice %arg8[%dma_wait3A_421, %dma_wait3A_422, %dma_wait3A_423] : memref<4x128x128xf32, #tpu.memory_space<vmem>> -> memref<1x128x128xf32, #tpu.memory_space<vmem>>
        %dma_wait3A_425 = tpu.memref_squeeze %dma_wait3A_424 : memref<1x128x128xf32, #tpu.memory_space<vmem>> -> memref<128x128xf32, #tpu.memory_space<vmem>>
        %dma_wait3A_426 = arith.constant 0 : i32
        %dma_wait3A_427 = tpu.memref_slice %arg6[%mul3A_4, %dma_wait3A_426] : memref<819200x128xf32, #tpu.memory_space<hbm>> -> memref<128x128xf32, #tpu.memory_space<hbm>>
        %dma_wait3A_428 = arith.constant 0 : i32
        %dma_wait3A_429 = tpu.memref_slice %arg6[%mul3A_4, %dma_wait3A_428] : memref<819200x128xf32, #tpu.memory_space<hbm>> -> memref<128x128xf32, #tpu.memory_space<hbm>>
        %dma_wait3A_430 = arith.constant 0 : i32
        %dma_wait3A_431 = arith.constant 0 : i32
        %dma_wait3A_432 = tpu.memref_slice %arg8[%dma_wait3A_421, %dma_wait3A_430, %dma_wait3A_431] : memref<4x128x128xf32, #tpu.memory_space<vmem>> -> memref<1x128x128xf32, #tpu.memory_space<vmem>>
        %dma_wait3A_433 = tpu.memref_squeeze %dma_wait3A_432 : memref<1x128x128xf32, #tpu.memory_space<vmem>> -> memref<128x128xf32, #tpu.memory_space<vmem>>
        tpu.wait_dma2 semaphore(%arg24 : memref<!tpu.dma_semaphore, #tpu.memory_space<semaphore_mem>>) src(%dma_wait3A_433 : memref<128x128xf32, #tpu.memory_space<vmem>>) dst(%dma_wait3A_429 : memref<128x128xf32, #tpu.memory_space<hbm>>)
      } else {
      }
      %add3A_414 = arith.constant 2 : i32
      %add3A_415 = arith.addi %add3A_347, %add3A_414 : i32
      %lt3A_416 = arith.constant 200 : i32
      %lt3A_417 = arith.cmpi slt, %add3A_415, %lt3A_416 : i32
      %convert_element_type3A_418 = arith.extui %lt3A_417 : i1 to i32
      %cond3A_419 = arith.constant 0 : i32
      %cond3A_420 = arith.cmpi ne, %convert_element_type3A_418, %cond3A_419 : i32
      scf.if %cond3A_420 {
        %add3A_421 = arith.constant 2 : i32
        %add3A_422 = arith.addi %add3A_347, %add3A_421 : i32
        %mul3A_423 = arith.constant 128 : i32
        %mul3A_424 = arith.muli %add3A_422, %mul3A_423 : i32
        %add3A_425 = arith.addi %mul3A_4, %mul3A_424 : i32
        %dma_start3A_426 = arith.constant 1 : i32
        %dma_start3A_427 = arith.constant 0 : i32
        %dma_start3A_428 = arith.constant 0 : i32
        %dma_start3A_429 = tpu.memref_slice %arg8[%dma_start3A_426, %dma_start3A_427, %dma_start3A_428] : memref<4x128x128xf32, #tpu.memory_space<vmem>> -> memref<1x128x128xf32, #tpu.memory_space<vmem>>
        %dma_start3A_430 = tpu.memref_squeeze %dma_start3A_429 : memref<1x128x128xf32, #tpu.memory_space<vmem>> -> memref<128x128xf32, #tpu.memory_space<vmem>>
        %dma_start3A_431 = arith.constant 0 : i32
        %dma_start3A_432 = tpu.memref_slice %arg3[%add3A_425, %dma_start3A_431] : memref<819200x128xf32, #tpu.memory_space<hbm>> -> memref<128x128xf32, #tpu.memory_space<hbm>>
        %dma_start3A_433 = arith.constant 0 : i32
        %dma_start3A_434 = arith.constant 0 : i32
        %dma_start3A_435 = tpu.memref_slice %arg8[%dma_start3A_426, %dma_start3A_433, %dma_start3A_434] : memref<4x128x128xf32, #tpu.memory_space<vmem>> -> memref<1x128x128xf32, #tpu.memory_space<vmem>>
        %dma_start3A_436 = tpu.memref_squeeze %dma_start3A_435 : memref<1x128x128xf32, #tpu.memory_space<vmem>> -> memref<128x128xf32, #tpu.memory_space<vmem>>
        %dma_start3A_437 = arith.constant 0 : i32
        %dma_start3A_438 = tpu.memref_slice %arg3[%add3A_425, %dma_start3A_437] : memref<819200x128xf32, #tpu.memory_space<hbm>> -> memref<128x128xf32, #tpu.memory_space<hbm>>
        tpu.enqueue_dma source(%dma_start3A_438 : memref<128x128xf32, #tpu.memory_space<hbm>>) target(%dma_start3A_436 : memref<128x128xf32, #tpu.memory_space<vmem>>) target_semaphore(%arg12 : memref<!tpu.dma_semaphore, #tpu.memory_space<semaphore_mem>>)
        %mul3A_439 = arith.constant 128 : i32
        %mul3A_440 = arith.muli %add3A_422, %mul3A_439 : i32
        %add3A_441 = arith.addi %mul3A_4, %mul3A_440 : i32
        %dma_start3A_442 = arith.constant 0 : i32
        %dma_start3A_443 = arith.constant 1 : i32
        %dma_start3A_444 = arith.constant 0 : i32
        %dma_start3A_445 = tpu.memref_slice %arg9[%dma_start3A_443, %dma_start3A_444] : memref<4x128xi32, #tpu.memory_space<vmem>> -> memref<1x128xi32, #tpu.memory_space<vmem>>
        %dma_start3A_446 = tpu.memref_squeeze %dma_start3A_445 : memref<1x128xi32, #tpu.memory_space<vmem>> -> memref<128xi32, #tpu.memory_space<vmem>>
        %dma_start3A_447 = tpu.memref_slice %arg4[%dma_start3A_442, %add3A_441] : memref<1x819200xi32, #tpu.memory_space<hbm>> -> memref<1x128xi32, #tpu.memory_space<hbm>>
        %dma_start3A_448 = tpu.memref_squeeze %dma_start3A_447 : memref<1x128xi32, #tpu.memory_space<hbm>> -> memref<128xi32, #tpu.memory_space<hbm>>
        %dma_start3A_449 = arith.constant 0 : i32
        %dma_start3A_450 = tpu.memref_slice %arg9[%dma_start3A_443, %dma_start3A_449] : memref<4x128xi32, #tpu.memory_space<vmem>> -> memref<1x128xi32, #tpu.memory_space<vmem>>
        %dma_start3A_451 = tpu.memref_squeeze %dma_start3A_450 : memref<1x128xi32, #tpu.memory_space<vmem>> -> memref<128xi32, #tpu.memory_space<vmem>>
        %dma_start3A_452 = tpu.memref_slice %arg4[%dma_start3A_442, %add3A_441] : memref<1x819200xi32, #tpu.memory_space<hbm>> -> memref<1x128xi32, #tpu.memory_space<hbm>>
        %dma_start3A_453 = tpu.memref_squeeze %dma_start3A_452 : memref<1x128xi32, #tpu.memory_space<hbm>> -> memref<128xi32, #tpu.memory_space<hbm>>
        tpu.enqueue_dma source(%dma_start3A_453 : memref<128xi32, #tpu.memory_space<hbm>>) target(%dma_start3A_451 : memref<128xi32, #tpu.memory_space<vmem>>) target_semaphore(%arg16 : memref<!tpu.dma_semaphore, #tpu.memory_space<semaphore_mem>>)
        %mul3A_454 = arith.constant 128 : i32
        %mul3A_455 = arith.muli %add3A_422, %mul3A_454 : i32
        %add3A_456 = arith.addi %mul3A_4, %mul3A_455 : i32
        %dma_start3A_457 = arith.constant 0 : i32
        %dma_start3A_458 = arith.constant 1 : i32
        %dma_start3A_459 = arith.constant 0 : i32
        %dma_start3A_460 = tpu.memref_slice %arg10[%dma_start3A_458, %dma_start3A_459] : memref<4x128xi32, #tpu.memory_space<vmem>> -> memref<1x128xi32, #tpu.memory_space<vmem>>
        %dma_start3A_461 = tpu.memref_squeeze %dma_start3A_460 : memref<1x128xi32, #tpu.memory_space<vmem>> -> memref<128xi32, #tpu.memory_space<vmem>>
        %dma_start3A_462 = tpu.memref_slice %arg5[%dma_start3A_457, %add3A_456] : memref<1x819200xi32, #tpu.memory_space<hbm>> -> memref<1x128xi32, #tpu.memory_space<hbm>>
        %dma_start3A_463 = tpu.memref_squeeze %dma_start3A_462 : memref<1x128xi32, #tpu.memory_space<hbm>> -> memref<128xi32, #tpu.memory_space<hbm>>
        %dma_start3A_464 = arith.constant 0 : i32
        %dma_start3A_465 = tpu.memref_slice %arg10[%dma_start3A_458, %dma_start3A_464] : memref<4x128xi32, #tpu.memory_space<vmem>> -> memref<1x128xi32, #tpu.memory_space<vmem>>
        %dma_start3A_466 = tpu.memref_squeeze %dma_start3A_465 : memref<1x128xi32, #tpu.memory_space<vmem>> -> memref<128xi32, #tpu.memory_space<vmem>>
        %dma_start3A_467 = tpu.memref_slice %arg5[%dma_start3A_457, %add3A_456] : memref<1x819200xi32, #tpu.memory_space<hbm>> -> memref<1x128xi32, #tpu.memory_space<hbm>>
        %dma_start3A_468 = tpu.memref_squeeze %dma_start3A_467 : memref<1x128xi32, #tpu.memory_space<hbm>> -> memref<128xi32, #tpu.memory_space<hbm>>
        tpu.enqueue_dma source(%dma_start3A_468 : memref<128xi32, #tpu.memory_space<hbm>>) target(%dma_start3A_466 : memref<128xi32, #tpu.memory_space<vmem>>) target_semaphore(%arg20 : memref<!tpu.dma_semaphore, #tpu.memory_space<semaphore_mem>>)
      } else {
      }
    }
    %scan3A_93 = arith.constant 50 : i32
    %dma_wait3A = arith.constant 2 : i32
    %dma_wait3A_94 = arith.constant 0 : i32
    %dma_wait3A_95 = arith.constant 0 : i32
    %dma_wait3A_96 = tpu.memref_slice %arg8[%dma_wait3A, %dma_wait3A_94, %dma_wait3A_95] : memref<4x128x128xf32, #tpu.memory_space<vmem>> -> memref<1x128x128xf32, #tpu.memory_space<vmem>>
    %dma_wait3A_97 = tpu.memref_squeeze %dma_wait3A_96 : memref<1x128x128xf32, #tpu.memory_space<vmem>> -> memref<128x128xf32, #tpu.memory_space<vmem>>
    %dma_wait3A_98 = arith.constant 0 : i32
    %dma_wait3A_99 = tpu.memref_slice %arg6[%mul3A_4, %dma_wait3A_98] : memref<819200x128xf32, #tpu.memory_space<hbm>> -> memref<128x128xf32, #tpu.memory_space<hbm>>
    %dma_wait3A_100 = arith.constant 0 : i32
    %dma_wait3A_101 = tpu.memref_slice %arg6[%mul3A_4, %dma_wait3A_100] : memref<819200x128xf32, #tpu.memory_space<hbm>> -> memref<128x128xf32, #tpu.memory_space<hbm>>
    %dma_wait3A_102 = arith.constant 0 : i32
    %dma_wait3A_103 = arith.constant 0 : i32
    %dma_wait3A_104 = tpu.memref_slice %arg8[%dma_wait3A, %dma_wait3A_102, %dma_wait3A_103] : memref<4x128x128xf32, #tpu.memory_space<vmem>> -> memref<1x128x128xf32, #tpu.memory_space<vmem>>
    %dma_wait3A_105 = tpu.memref_squeeze %dma_wait3A_104 : memref<1x128x128xf32, #tpu.memory_space<vmem>> -> memref<128x128xf32, #tpu.memory_space<vmem>>
    tpu.wait_dma2 semaphore(%arg25 : memref<!tpu.dma_semaphore, #tpu.memory_space<semaphore_mem>>) src(%dma_wait3A_105 : memref<128x128xf32, #tpu.memory_space<vmem>>) dst(%dma_wait3A_101 : memref<128x128xf32, #tpu.memory_space<hbm>>)
    %dma_wait3A_106 = arith.constant 3 : i32
    %dma_wait3A_107 = arith.constant 0 : i32
    %dma_wait3A_108 = arith.constant 0 : i32
    %dma_wait3A_109 = tpu.memref_slice %arg8[%dma_wait3A_106, %dma_wait3A_107, %dma_wait3A_108] : memref<4x128x128xf32, #tpu.memory_space<vmem>> -> memref<1x128x128xf32, #tpu.memory_space<vmem>>
    %dma_wait3A_110 = tpu.memref_squeeze %dma_wait3A_109 : memref<1x128x128xf32, #tpu.memory_space<vmem>> -> memref<128x128xf32, #tpu.memory_space<vmem>>
    %dma_wait3A_111 = arith.constant 0 : i32
    %dma_wait3A_112 = tpu.memref_slice %arg6[%mul3A_4, %dma_wait3A_111] : memref<819200x128xf32, #tpu.memory_space<hbm>> -> memref<128x128xf32, #tpu.memory_space<hbm>>
    %dma_wait3A_113 = arith.constant 0 : i32
    %dma_wait3A_114 = tpu.memref_slice %arg6[%mul3A_4, %dma_wait3A_113] : memref<819200x128xf32, #tpu.memory_space<hbm>> -> memref<128x128xf32, #tpu.memory_space<hbm>>
    %dma_wait3A_115 = arith.constant 0 : i32
    %dma_wait3A_116 = arith.constant 0 : i32
    %dma_wait3A_117 = tpu.memref_slice %arg8[%dma_wait3A_106, %dma_wait3A_115, %dma_wait3A_116] : memref<4x128x128xf32, #tpu.memory_space<vmem>> -> memref<1x128x128xf32, #tpu.memory_space<vmem>>
    %dma_wait3A_118 = tpu.memref_squeeze %dma_wait3A_117 : memref<1x128x128xf32, #tpu.memory_space<vmem>> -> memref<128x128xf32, #tpu.memory_space<vmem>>
    tpu.wait_dma2 semaphore(%arg26 : memref<!tpu.dma_semaphore, #tpu.memory_space<semaphore_mem>>) src(%dma_wait3A_118 : memref<128x128xf32, #tpu.memory_space<vmem>>) dst(%dma_wait3A_114 : memref<128x128xf32, #tpu.memory_space<hbm>>)
    return
  }
}

</mosaic_0001>

<sc_bundles>
// kernel: kernel.3.cloned.1.call-start
scs
__scs_entry_jumppad:
0x0: {  	(pc) =	sbr.rel $0x88, $3  }
0x1: {  	(tag) =	ssettag $0x0;
	lr =	simm.s32 $0x1  }
0x2: {  	[smem:$0x3F99] =	sst lr;
	_ =	strace $0xD0000000  }
0x3: {  	_ = 	snop  }
0x4: {  	_ = 	snop  }
0x5: {  	_ = 	snop  }
0x6: {  	_ = 	snop  }
0x7: {  	_ = 	snop  }
__scs_overlays_trampoline_lowered:
0x8: {  	[smem:$0x3FA8] =	sst s0  }
0x9: {  	[smem:$0x3FA9] =	sst s1  }
0xa: {  	[smem:$0x3FAA] =	sst s2  }
0xb: {  	[smem:$0x3FAB] =	sst s3  }
0xc: {  	[smem:$0x3FAC] =	sst s4  }
0xd: {  	[smem:$0x3FAD] =	sst s5  }
0xe: {  	[smem:$0x3FAE] =	sst s6  }
0xf: {  	[smem:$0x3FAF] =	sst s7  }
0x10: {  	[smem:$0x3FB0] =	sst s8  }
0x11: {  	[smem:$0x3FB1] =	sst s9;
	s0 =	simm.s32 @!p0 $0x0  }
0x12: {  	s1 =	sld [smem:$0x3F97];
	s0 =	simm.s32 @p0 $0x1  }
0x13: {  	[smem:$0x3FB2] =	sst s0;
	s0 =	simm.s32 @!p1 $0x0  }
0x14: {  	s2 =	sld [smem:$0x3F96];
	s0 =	simm.s32 @p1 $0x1  }
0x15: {  	[smem:$0x3FB3] =	sst s0;
	s0 =	simm.s32 @!p2 $0x0  }
0x16: {  	s3 =	sld [smem:$0x3FDB];
	s0 =	simm.s32 @p2 $0x1  }
0x17: {  	s4 =	simm.s32 $0x1BF5;
	[smem:$0x3FB5] =	sst s0  }
0x18: {  	s0 =	sld [smem:$0x3F98];
	_ =	swait.ge [sflag:s4], $0x0  }
0x19: {  	s7 =	sld [smem:$0x3F99]  }
0x1a: {  	s8 =	sadd.s32 $0xFFFFE003, lr  }
0x1b: {  	s9 =	sadd.s32 $0xFFFFFEF7, lr;
	s5 =	simm.s32 $0xFFFFFFFF;
	p2 =	slt.u32 s8, $0xFFFFF086  }
0x1c: {  	p1 =	slt.u32 s9, $0xF7A;
	s5 =	simm.s32 @!p2 $0x0  }
0x1d: {  	s5 =	simm.s32 @p1 $0x1;
	p0 =	seq.s32 s7, s2  }
0x1e: {  	s7 =	smul.u32 @!p0 $0xF7A, s2;
	p2 =	seq.s32 @!p0 s5, $0x0  }
0x1f: {  	s9 =	smul.u32 $0xF7A, s1;
	s8 =	simm.s32 @!p0 $0x1BF5;
	p2 =	por !p2, p0  }
0x20: {  	[sflag:s8] =	ssyncset.s32 @!p0 $0xFFFFF086;
	s6 =	sadd.s32 @!p0 s3, s7;
	s7 =	simm.s32 @!p0 $0x108  }
0x21: {  	s3 =	sadd.s32 s3, s9;
	s6 =	sadd.s32 @!p0 $0x88, s6;
	s7 =	simm.s32 @p2 $0x1082  }
0x22: {  	[simem:s7], [sflag:s8] =	dma.local @!p0 [hbm:s6], $0xF7A  }
0x23: {  	s9 =	sor.u32 $0xD0000000, s2;
	s6 =	simm.s32 $0x108;
	_ =	swait.ge @!p0 [sflag:s8], $0x0  }
0x24: {  	s3 =	sadd.s32 $0x88, s3;
	s6 =	simm.s32 @!p1 $0x1082;
	[sflag:s4] =	ssyncset.s32 $0xFFFFF086  }
0x25: {  	[simem:s6], [sflag:s4] =	dma.local [hbm:s3], $0xF7A  }
0x26: {  	[smem:$0x3F99] =	sst s1;
	(tag) =	ssettag s2;
	_ =	strace s9  }
0x27: {  	s1 =	sld [smem:$0x3FA9]  }
0x28: {  	s2 =	sld [smem:$0x3FAA]  }
0x29: {  	s4 =	sld [smem:$0x3FAC]  }
0x2a: {  	p0 =	seq.s32 s5, $0x0;
	s5 =	sld [smem:$0x3FAD]  }
0x2b: {  	s6 =	sld [smem:$0x3FAE]  }
0x2c: {  	s7 =	sld [smem:$0x3FAF]  }
0x2d: {  	s3 =	simm.s32 $0x108;
	s8 =	sld [smem:$0x3FB0]  }
0x2e: {  	s3 =	simm.s32 @!p0 $0x1082;
	s9 =	sld [smem:$0x3FB1]  }
0x2f: {  	lr =	sadd.s32 s0, s3;
	s0 =	sld [smem:$0x3FA8]  }
0x30: {  	s3 =	sld [smem:$0x3FAB]  }
0x31: {  	[smem:$0x3FB4] =	sst s10  }
0x32: {  	s10 =	sld [smem:$0x3FB2];
	_ =	sdelay $0x3  }
0x33: {  	p0 =	seq.s32 s10, $0x1;
	s10 =	sld [smem:$0x3FB4];
	_ =	sdelay $0x3  }
0x34: {  	[smem:$0x3FB4] =	sst s10  }
0x35: {  	s10 =	sld [smem:$0x3FB3];
	_ =	sdelay $0x3  }
0x36: {  	p1 =	seq.s32 s10, $0x1;
	s10 =	sld [smem:$0x3FB4];
	_ =	sdelay $0x3  }
0x37: {  	[smem:$0x3FB4] =	sst s10  }
0x38: {  	s10 =	sld [smem:$0x3FB5]  }
0x39: {  	_ = 	snop;
	(pc) =	sbr.ind lr, $3  }
0x3a: {  	_ = 	snop  }
0x3b: {  	_ = 	snop  }
0x3c: {  	p2 =	seq.s32 s10, $0x1;
	s10 =	sld [smem:$0x3FB4]  }
0x3d: {  	_ =	shalt  }
0x3e: {  	_ =	shalt  }
0x3f: {  	_ =	shalt  }
0x40: {  	_ =	shalt  }
0x41: {  	_ =	shalt  }
0x42: {  	_ =	shalt  }
0x43: {  	_ =	shalt  }
0x44: {  	_ =	shalt  }
0x45: {  	_ =	shalt  }
0x46: {  	_ =	shalt  }
0x47: {  	_ =	shalt  }
0x48: {  	_ =	shalt  }
0x49: {  	_ =	shalt  }
0x4a: {  	_ =	shalt  }
0x4b: {  	_ =	shalt  }
0x4c: {  	_ =	shalt  }
0x4d: {  	_ =	shalt  }
0x4e: {  	_ =	shalt  }
0x4f: {  	_ =	shalt  }
0x50: {  	_ =	shalt  }
0x51: {  	_ =	shalt  }
0x52: {  	_ =	shalt  }
0x53: {  	_ =	shalt  }
0x54: {  	_ =	shalt  }
0x55: {  	_ =	shalt  }
0x56: {  	_ =	shalt  }
0x57: {  	_ =	shalt  }
0x58: {  	_ =	shalt  }
0x59: {  	_ =	shalt  }
0x5a: {  	_ =	shalt  }
0x5b: {  	_ =	shalt  }
0x5c: {  	_ =	shalt  }
0x5d: {  	_ =	shalt  }
0x5e: {  	_ =	shalt  }
0x5f: {  	_ =	shalt  }
0x60: {  	_ =	shalt  }
0x61: {  	_ =	shalt  }
0x62: {  	_ =	shalt  }
0x63: {  	_ =	shalt  }
0x64: {  	_ =	shalt  }
0x65: {  	_ =	shalt  }
0x66: {  	_ =	shalt  }
0x67: {  	_ =	shalt  }
0x68: {  	_ =	shalt  }
0x69: {  	_ =	shalt  }
0x6a: {  	_ =	shalt  }
0x6b: {  	_ =	shalt  }
0x6c: {  	_ =	shalt  }
0x6d: {  	_ =	shalt  }
0x6e: {  	_ =	shalt  }
0x6f: {  	_ =	shalt  }
0x70: {  	_ =	shalt  }
0x71: {  	_ =	shalt  }
0x72: {  	_ =	shalt  }
0x73: {  	_ =	shalt  }
0x74: {  	_ =	shalt  }
0x75: {  	_ =	shalt  }
0x76: {  	_ =	shalt  }
0x77: {  	_ =	shalt  }
0x78: {  	_ =	shalt  }
0x79: {  	_ =	shalt  }
0x7a: {  	_ =	shalt  }
0x7b: {  	_ =	shalt  }
0x7c: {  	_ =	shalt  }
0x7d: {  	_ =	shalt  }
0x7e: {  	_ =	shalt  }
0x7f: {  	_ =	shalt  }
0x80: {  	_ =	shalt  }
0x81: {  	_ =	shalt  }
0x82: {  	_ =	shalt  }
0x83: {  	_ =	shalt  }
0x84: {  	_ =	shalt  }
0x85: {  	_ =	shalt  }
0x86: {  	_ =	shalt  }
0x87: {  	_ =	shalt  }
.Lfunc_end0:
.L_simem_size_0:
called_computation_lowered:
.L_overlay_start_0:
0x88: {  	s2 =	sld [smem:$0x3FD9]  }
0x89: {  	s3 =	sld [smem:$0x3FFE];
	_ =	sdelay $0x1  }
0x8a: {  	s1 =	srdreg.scid  }
0x8b: {  	s0 =	sand.u32 $0x1, s1  }
0x8c: {  	s17 =	sshll.u32 s0, $0xA;
	s2 =	sadd.s32 s3, s2  }
0x8d: {  	s2 =	sadd.s32 s2, s17  }
0x8e: {  	[smem:$0x3FC0] =	sst s2  }
0x8f: {  	_ = 	snop  }
0x90: {  	s2 =	sld [smem:$0x3FC9]  }
0x91: {  	s18 =	sld [smem:$0x3FD0];
	(tm) =	ssettm $0x1  }
0x92: {  	s4 =	sld [smem:$0x3FFB];
	_ =	sdelay $0x3  }
0x93: {  	_ =	strace s4  }
0x94: {  	s4 =	sld [smem:$0x3FFC];
	_ =	sdelay $0x3  }
0x95: {  	_ =	strace s4  }
0x96: {  	s4 =	sld [smem:$0x3FFD];
	_ =	sdelay $0x3  }
0x97: {  	_ =	strace s4  }
0x98: {  	_ =	strace $0x8FFFFFFF  }
0x99: {  	s19 =	sld [smem:$0x3FDB];
	_ =	sdelay $0x1  }
0x9a: {  	s5 =	simm.s32 $_scs_section_size  }
0x9b: {  	s6 =	simm.s32 $_size__tile_overlayer_lowered;
	s7 =	simm.s32 $_tile_overlayer_lowered  }
0x9c: {  	s22 =	simm.s32 $0x1BFF;
	s21 =	sshll.u32 s7, $0x1;
	s4 =	sadd.s32 s5, s19  }
0x9d: {  	s8 =	simm.s32 $0x0;
	s20 =	sshll.u32 s6, $0x1;
	s6 =	sadd.s32 s21, s4  }
0x9e: {  	[timem:s8], [sflag:s22] =	dma.local [hbm:s6], s20  }
0x9f: {  	_ =	swait.ge [sflag:s22], s20  }
0xa0: {  	s5 =	ssub.s32 $0x0, s20;
	[sflag:s22] =	ssyncset.done $0x0  }
0xa1: {  	[sflag:s22] =	ssyncadd.s32 s5;
	_ =	sdelay $0x1  }
0xa2: {  	s23 =	simm.s32 $0x1B8B  }
0xa3: {  	_ =	swait.ge [sflag:s23], $0x1  }
0xa4: {  	[sflag:s23] =	ssyncset.done $0x0  }
0xa5: {  	s25 =	simm.s32 $0x1B8E;
	s24 =	sld [smem:$0x3FFE];
	[sflag:s23] =	ssyncadd.s32 $0xFFFFFFFF  }
0xa6: {  	s26 =	simm.s32 $execute0_lowered;
	[smem:$0x3FD2] =	sst s25  }
0xa7: {  	s6 =	sshll.u32 s26, $0x1;
	_ =	strace $0x80000046;
	[dreg:$0x1] =	wrdreg $0xFFFFFFFF  }
0xa8: {  	s28 =	simm.s32 $_size_execute0_lowered;
	s4 =	sadd.s32 s4, s6;
	[dreg:$0x0] =	wrdreg $0x0  }
0xa9: {  	s6 =	sshll.u32 s28, $0x1;
	[dreg:$0x2] =	wrdreg s4  }
0xaa: {  	[dreg:$0x3] =	wrdreg s6  }
0xab: {  	[dreg:$0x4] =	wrdreg $0xC0  }
0xac: {  	_ =	task [dreg:s8], $0x5FFFF  }
0xad: {  	[dreg:$0x1] =	wrdreg $0xFFFFFFFF  }
0xae: {  	[dreg:$0x0] =	wrdreg $0x60  }
0xaf: {  	[dreg:$0x2] =	wrdreg s24  }
0xb0: {  	[dreg:$0x3] =	wrdreg s2  }
0xb1: {  	[dreg:$0x4] =	wrdreg s18  }
0xb2: {  	[dreg:$0x5] =	wrdreg $0x0  }
0xb3: {  	[dreg:$0x6] =	wrdreg $0x9  }
0xb4: {  	_ =	task.clear_ibuf [dreg:s8], $0x7FFFF;
	_ =	strace $0x90000046  }
0xb5: {  	s29 =	simm.s32 $0x9;
	_ =	strace $0x80000048  }
0xb6: {  	_ =	swait.ge [sflag:s29], $0x1  }
0xb7: {  	[sflag:s29] =	ssyncadd.s32 $0xFFFFFFFF  }
0xb8: {  	_ =	strace $0x90000048  }
0xb9: {  	_ =	sfence  }
0xba: {  	s30 =	sld [smem:$0x0];
	_ =	sdelay $0x2  }
0xbb: {  	s31 =	sshll.u32 s1, $0xD;
	s1 =	sshrl.u32 s1, $0x2  }
0xbc: {  	s3 =	sand.u32 $0x4000, s31;
	s1 =	sadd.s32 s1, s30  }
0xbd: {  	s0 =	sor.u32 s3, s0;
	s1 =	sshll.u32 s1, $0x11  }
0xbe: {  	s0 =	sor.u32 s1, s0  }
0xbf: {  	s0 =	sadd.s32 $0x8F2B, s0  }
0xc0: {  	[sflag:s0] =	ssyncadd.remote.s32 $0x1  }
0xc1: {  	_ =	sfence.sel $0xFFFF  }
0xc2: {  	[dreg:$0x0] =	wrdreg $0xFFFFFFFF;
	(pc) =	sbr.abs _section_cstart, $3  }
0xc3: {  	[dreg:$0x1] =	wrdreg $0xFFFFFFFF  }
0xc4: {  	_ =	task.clear_ibuf [dreg:s8], $0x2FFFF;
	_ =	strace $0x9FFFFFFF  }
0xc5: {  	(tm) =	ssettm $0x7FFFFFFF  }
tec
execute0_lowered:
.L_overlay_start_1:
0x0: {  	(tag) =	ssettag $0x1  }
0x1: {  	s3 =	rddreg [dreg:$0x0]  }
0x2: {  	s4 =	rddreg [dreg:$0x1]  }
0x3: {  	s5 =	rddreg [dreg:$0x2]  }
0x4: {  	s1 =	rddreg [dreg:$0x3];
	s6 =	srdreg.scid  }
0x5: {  	s0 =	stileid.u32;
	s2 =	simm.s32 $0x0;
	s31 =	simm.s32 $0x2580  }
0x6: {  	s28 =	simm.s32 $0x6580;
	s6 =	sand.u32 $0x1, s6;
	s25 =	smul.u32 $0xC8000, s0  }
0x7: {  	s7 =	sshll.u32 s0, $0x1;
	[smem:$0x7FF] =	sst s2;
	s12 =	smul.u32 $0xC800, s0  }
0x8: {  	s9 =	sadd.s32 $0x33400, s3;
	s14 =	smul.u32 $0x640000, s0;
	s7 =	sor.u32 s6, s7  }
0x9: {  	s10 =	sadd.s32 $0x1A400, s3;
	s3 =	sadd.s32 $0x1400, s3;
	s8 =	smul.u32 $0x6400, s7  }
0xa: {  	p0 =	sne.s32 s0, $0x0;
	s22 =	ssub.s32 $0x2, s6;
	s7 =	smul.u32 $0x64000, s7  }
0xb: {  	_ =	strace $0x80000047;
	[dreg:$0x5] =	wrdreg s9;
	s11 =	sshrl.u32 s22, $0x1  }
0xc: {  	s30 =	smul.u32 $0x6400, s6;
	s9 =	ssub.s32 s22, s11;
	s7 =	sadd.s32 s4, s7  }
0xd: {  	s23 =	sshrl.u32 s8, $0x3;
	s8 =	sor.u32 $0x80, s8;
	s9 =	smax.u32 s9, $0x1  }
0xe: {  	[dreg:$0x6] =	wrdreg s7;
	s24 =	sadd.s32 s10, s23;
	s7 =	sadd.s32 s3, s23  }
0xf: {  	s26 =	sshll.u32 s8, $0x4;
	s29 =	sshrl.u32 s8, $0x3;
	[dreg:$0xc] =	wrdreg s9  }
0x10: {  	s8 =	sadd.s32 s30, s12;
	s9 =	simm.s32 $0x2;
	[dreg:$0x7] =	wrdreg s24  }
0x11: {  	[dreg:$0x8] =	wrdreg s7;
	s7 =	sadd.s32 s4, s26;
	s13 =	sadd.s32 s10, s29  }
0x12: {  	s4 =	sadd.s32 s25, s4;
	s12 =	sor.u32 $0x280, s8;
	s16 =	sor.u32 $0x200, s8  }
0x13: {  	s23 =	sor.u32 $0x180, s8;
	s24 =	sor.u32 $0x100, s8;
	[dreg:$0x9] =	wrdreg s7  }
0x14: {  	[dreg:$0xa] =	wrdreg s13;
	s7 =	sadd.s32 s3, s29;
	s13 =	smul.u32 $0x64000, s6  }
0x15: {  	s6 =	smul.u32 $0x320000, s6;
	s15 =	sshrl.u32 s12, $0x3;
	s25 =	sshrl.u32 s24, $0x3  }
0x16: {  	s24 =	simm.s32 $0x12880;
	[dreg:$0xb] =	wrdreg s7;
	s12 =	sadd.s32 s15, s3  }
0x17: {  	s7 =	sshrl.u32 s16, $0x3;
	s30 =	sadd.s32 s25, s10;
	s16 =	simm.s32 $0xB  }
0x18: {  	s11 =	sadd.s32 s13, s4;
	[dreg:$0xd] =	wrdreg s12;
	s6 =	sadd.s32 s6, s14  }
0x19: {  	s4 =	sadd.s32 s15, s10;
	s17 =	sadd.s32 s7, s3;
	[dreg:$0x18] =	wrdreg s30  }
0x1a: {  	s7 =	sadd.s32 s7, s10;
	s12 =	simm.s32 $0x12800;
	[dreg:$0xe] =	wrdreg s4  }
0x1b: {  	s14 =	simm.s32 $0x3;
	s15 =	simm.s32 $0x7;
	[dreg:$0xf] =	wrdreg s17  }
0x1c: {  	s18 =	sor.u32 $0x4000, s6;
	[dreg:$0x10] =	wrdreg s7;
	s19 =	sor.u32 $0xC000, s6  }
0x1d: {  	s20 =	sshrl.u32 s6, $0x3;
	s22 =	sor.u32 $0x8000, s6;
	s6 =	sshrl.u32 s23, $0x3  }
0x1e: {  	s17 =	simm.s32 $0xD;
	s4 =	sshrl.u32 s18, $0x3;
	s7 =	sshrl.u32 s19, $0x3  }
0x1f: {  	s26 =	sadd.s32 s6, s3;
	s29 =	sadd.s32 s6, s10;
	s3 =	sadd.s32 s25, s3  }
0x20: {  	s6 =	simm.s32 $0xA580;
	s10 =	simm.s32 $0x6;
	[dreg:$0x15] =	wrdreg s26  }
0x21: {  	s25 =	simm.s32 $0xA;
	s18 =	simm.s32 $0x4;
	[dreg:$0x16] =	wrdreg s29  }
0x22: {  	s19 =	simm.s32 $0x8;
	s4 =	sadd.s32 s4, s5;
	[dreg:$0x17] =	wrdreg s3  }
.Ltmp0:
0x23: {  	s21 =	sadd.s32 s7, s5;
	[dreg:$0x11] =	wrdreg s4;
	(pc) =	sbr.rel .LBB2_1-.Ltmp0, $4  }
0x24: {  	s26 =	simm.s32 $0xE580;
	s4 =	sadd.s32 s20, s5;
	[dreg:$0x13] =	wrdreg s21  }
0x25: {  	s3 =	simm.s32 $0x0;
	[dreg:$0x12] =	wrdreg s4;
	s4 =	sshrl.u32 s22, $0x3  }
0x26: {  	s20 =	simm.s32 $0xC;
	s21 =	simm.s32 $0xE;
	s4 =	sadd.s32 s4, s5  }
0x27: {  	s5 =	simm.s32 $0x11;
	[dreg:$0x14] =	wrdreg s4;
	s4 =	simm.s32 $0x80  }
.LBB2_4:
0x28: {  	s0 =	simm.s32 $0xF  }
0x29: {  	_ =	swait.ge [sflag:s0], $0x4000  }
0x2a: {  	[sflag:s0] =	ssyncset.done $0x0  }
0x2b: {  	s30 =	simm.s32 $0x10;
	[sflag:s0] =	ssyncadd.s32 $0xFFFFC000  }
0x2c: {  	_ =	swait.ge [sflag:s30], $0x4000  }
0x2d: {  	s3 =	rddreg [dreg:$0x19]  }
0x2e: {  	s7 =	rddreg [dreg:$0xc];
	s3 =	sadd.s32 $0x1, s3  }
0x2f: {  	p1 =	sne.s32 s3, s7  }
.Ltmp1:
0x30: {  	_ = 	snop;
	(pc) =	sbr.rel @!p1 .LBB2_5-.Ltmp1, $3  }
0x31: {  	_ =	sdelay $0x1  }
0x32: {  	[sflag:s30] =	ssyncset.done $0x0  }
0x33: {  	s12 =	simm.s32 $0x12800;
	[sflag:s30] =	ssyncadd.s32 $0xFFFFC000  }
.LBB2_1:
0x34: {  	[dreg:$0x19] =	wrdreg s3  }
0x35: {  	s22 =	sshrl.u32 @!p0 s1, $0x3;
	s23 =	simm.s32 @!p0 $0x1C11;
	s7 =	rddreg [dreg:$0x5]  }
0x36: {  	[spmem:s22], [sflag:s23] =	dma.local @!p0 [hbm:s7], $0x4B00  }
0x37: {  	s22 =	simm.s32 @!p0 $0x11  }
0x38: {  	_ =	swait.ge @!p0 [sflag:s22], $0x4B00  }
0x39: {  	[sflag:s22] =	ssyncset.done @!p0 $0x0  }
0x3a: {  	[sflag:s22] =	ssyncadd.s32 @!p0 $0xFFFFB500  }
0x3b: {  	[bflag:$0x0] =	sbarrier.arrive $0xFFFF  }
0x3c: {  	s8 =	rddreg [dreg:$0x6]  }
0x3d: {  	[tilespmem:s31], [sflag:$0x1] =	stream.linear.gather [hbm4b:s8+s2], $0x4000, $0x38;
	[tilespmem:$0x12980] =	vst v63  }
0x3e: {  	s13 =	rddreg [dreg:$0x7];
	s8 =	simm.s32 $0x12580  }
0x3f: {  	[tilespmem:s8], [sflag:$0x5] =	stream.linear.gather [hbm4b:s13+s2], $0x80, $0x38;
	[tilespmem:$0x12980] =	vst v63  }
0x40: {  	s23 =	simm.s32 $0x12780;
	s22 =	rddreg [dreg:$0x8]  }
0x41: {  	[tilespmem:s23], [sflag:$0x9] =	stream.linear.gather [hbm4b:s22+s2], $0x80, $0x38;
	[tilespmem:$0x12980] =	vst v63  }
0x42: {  	s29 =	rddreg [dreg:$0x9]  }
0x43: {  	[tilespmem:s28], [sflag:$0x2] =	stream.linear.gather [hbm4b:s29+s2], $0x4000, $0x38;
	[tilespmem:$0x12980] =	vst v63  }
0x44: {  	s30 =	rddreg [dreg:$0xa];
	s8 =	simm.s32 $0x12600  }
0x45: {  	[tilespmem:s8], [sflag:$0x6] =	stream.linear.gather [hbm4b:s30+s2], $0x80, $0x38;
	[tilespmem:$0x12980] =	vst v63  }
0x46: {  	s31 =	rddreg [dreg:$0xb];
	s22 =	simm.s32 $0x0;
	s23 =	simm.s32 $0x0  }
0x47: {  	[tilespmem:s12], [sflag:$0xA] =	stream.linear.gather [hbm4b:s31+s2], $0x80, $0x38;
	[tilespmem:$0x12980] =	vst v63  }
.LBB2_2:
0x48: {  	s7 =	simm.s32 $0x1  }
0x49: {  	_ =	swait.ge [sflag:s7], $0x4000  }
0x4a: {  	[sflag:s7] =	ssyncset.done $0x0  }
0x4b: {  	s0 =	simm.s32 $0x5;
	[sflag:s7] =	ssyncadd.s32 $0xFFFFC000  }
0x4c: {  	_ =	swait.ge [sflag:s0], $0x80  }
0x4d: {  	[sflag:s0] =	ssyncset.done $0x0  }
0x4e: {  	s13 =	simm.s32 $0x9;
	[sflag:s0] =	ssyncadd.s32 $0xFFFFFF80  }
0x4f: {  	_ =	swait.ge [sflag:s13], $0x80  }
0x50: {  	[sflag:s13] =	ssyncset.done $0x0  }
0x51: {  	s30 =	simm.s32 $0x12580;
	[sflag:s13] =	ssyncadd.s32 $0xFFFFFF80;
	s13 =	simm.s32 $0x2580  }
0x52: {  	[tilespmem:s13], [sflag:$0x11] =	stream.indirect.gather.add.f32 [spmem:s1], $0x80, s30, s4, $0xb8;
	[tilespmem:$0x12980] =	vst v63  }
0x53: {  	_ =	swait.ge [sflag:s5], $0x4000  }
0x54: {  	[sflag:s5] =	ssyncset.done $0x0  }
0x55: {  	s0 =	simm.s32 $0x12780;
	[sflag:s5] =	ssyncadd.s32 $0xFFFFC000  }
0x56: {  	[tilespmem:s13], [sflag:$0x11] =	stream.indirect.gather.add.f32 [spmem:s1], $0x80, s0, s4, $0xb8;
	[tilespmem:$0x12980] =	vst v63  }
0x57: {  	_ =	swait.ge [sflag:s5], $0x4000  }
0x58: {  	p1 =	seq.s32 s23, $0x0;
	[sflag:s5] =	ssyncset.done $0x0;
	s3 =	rddreg [dreg:$0x12]  }
0x59: {  	s30 =	simm.s32 @!p1 $0xF;
	[sflag:s5] =	ssyncadd.s32 $0xFFFFC000;
	s29 =	sadd.s32 s23, s3  }
0x5a: {  	[hbm4b:s29+s2] =	stream.linear.scatter [tilespmem:s13], [sflag:$0xD], $0x4000, $0x38;
	[tilespmem:$0x12980] =	vst v63  }
0x5b: {  	_ =	swait.ge @!p1 [sflag:s30], $0x4000  }
0x5c: {  	s29 =	sadd.s32 s23, s11;
	[sflag:s30] =	ssyncset.done @!p1 $0x0  }
0x5d: {  	s13 =	sadd.s32 $0x1000, s29;
	[sflag:s30] =	ssyncadd.s32 @!p1 $0xFFFFC000;
	s30 =	rddreg [dreg:$0x18]  }
0x5e: {  	[tilespmem:s6], [sflag:$0x3] =	stream.linear.gather [hbm4b:s13+s2], $0x4000, $0x38;
	[tilespmem:$0x12980] =	vst v63  }
0x5f: {  	s3 =	rddreg [dreg:$0x17];
	s0 =	sadd.s32 s22, s30;
	s13 =	simm.s32 $0x12680  }
0x60: {  	[tilespmem:s13], [sflag:$0x7] =	stream.linear.gather [hbm4b:s0+s2], $0x80, $0x38;
	[tilespmem:$0x12980] =	vst v63  }
0x61: {  	s7 =	sadd.s32 s22, s3  }
0x62: {  	[tilespmem:s24], [sflag:$0xB] =	stream.linear.gather [hbm4b:s7+s2], $0x80, $0x38;
	[tilespmem:$0x12980] =	vst v63  }
0x63: {  	_ =	swait.ge [sflag:s9], $0x4000  }
0x64: {  	[sflag:s9] =	ssyncset.done $0x0  }
0x65: {  	[sflag:s9] =	ssyncadd.s32 $0xFFFFC000  }
0x66: {  	_ =	swait.ge [sflag:s10], $0x80  }
0x67: {  	[sflag:s10] =	ssyncset.done $0x0  }
0x68: {  	[sflag:s10] =	ssyncadd.s32 $0xFFFFFF80  }
0x69: {  	_ =	swait.ge [sflag:s25], $0x80  }
0x6a: {  	[sflag:s25] =	ssyncset.done $0x0  }
0x6b: {  	[sflag:s25] =	ssyncadd.s32 $0xFFFFFF80  }
0x6c: {  	[tilespmem:s28], [sflag:$0x11] =	stream.indirect.gather.add.f32 [spmem:s1], $0x80, s8, s4, $0xb8;
	[tilespmem:$0x12980] =	vst v63  }
0x6d: {  	_ =	swait.ge [sflag:s5], $0x4000  }
0x6e: {  	[sflag:s5] =	ssyncset.done $0x0  }
0x6f: {  	[sflag:s5] =	ssyncadd.s32 $0xFFFFC000  }
0x70: {  	[tilespmem:s28], [sflag:$0x11] =	stream.indirect.gather.add.f32 [spmem:s1], $0x80, s12, s4, $0xb8;
	[tilespmem:$0x12980] =	vst v63  }
0x71: {  	_ =	swait.ge [sflag:s5], $0x4000  }
0x72: {  	[sflag:s5] =	ssyncset.done $0x0;
	s0 =	rddreg [dreg:$0x11]  }
0x73: {  	s30 =	simm.s32 @!p1 $0x10;
	[sflag:s5] =	ssyncadd.s32 $0xFFFFC000;
	s3 =	sadd.s32 s23, s0  }
0x74: {  	[hbm4b:s3+s2] =	stream.linear.scatter [tilespmem:s28], [sflag:$0xE], $0x4000, $0x38;
	[tilespmem:$0x12980] =	vst v63  }
0x75: {  	_ =	swait.ge @!p1 [sflag:s30], $0x4000  }
0x76: {  	[sflag:s30] =	ssyncset.done @!p1 $0x0  }
0x77: {  	s7 =	sadd.s32 $0x1800, s29;
	s8 =	rddreg [dreg:$0x16];
	[sflag:s30] =	ssyncadd.s32 @!p1 $0xFFFFC000  }
0x78: {  	[tilespmem:s26], [sflag:$0x4] =	stream.linear.gather [hbm4b:s7+s2], $0x4000, $0x38;
	[tilespmem:$0x12980] =	vst v63  }
0x79: {  	s0 =	simm.s32 $0x12700;
	s3 =	rddreg [dreg:$0x15];
	s12 =	sadd.s32 s22, s8  }
0x7a: {  	[tilespmem:s0], [sflag:$0x8] =	stream.linear.gather [hbm4b:s12+s2], $0x80, $0x38;
	[tilespmem:$0x12980] =	vst v63  }
0x7b: {  	s8 =	sadd.s32 s22, s3;
	s3 =	simm.s32 $0x12900  }
0x7c: {  	[tilespmem:s3], [sflag:$0xC] =	stream.linear.gather [hbm4b:s8+s2], $0x80, $0x38;
	[tilespmem:$0x12980] =	vst v63  }
0x7d: {  	_ =	swait.ge [sflag:s14], $0x4000  }
0x7e: {  	[sflag:s14] =	ssyncset.done $0x0  }
0x7f: {  	[sflag:s14] =	ssyncadd.s32 $0xFFFFC000  }
0x80: {  	_ =	swait.ge [sflag:s15], $0x80  }
0x81: {  	[sflag:s15] =	ssyncset.done $0x0  }
0x82: {  	[sflag:s15] =	ssyncadd.s32 $0xFFFFFF80  }
0x83: {  	_ =	swait.ge [sflag:s16], $0x80  }
0x84: {  	[sflag:s16] =	ssyncset.done $0x0  }
0x85: {  	[sflag:s16] =	ssyncadd.s32 $0xFFFFFF80  }
0x86: {  	[tilespmem:s6], [sflag:$0x11] =	stream.indirect.gather.add.f32 [spmem:s1], $0x80, s13, s4, $0xb8;
	[tilespmem:$0x12980] =	vst v63  }
0x87: {  	_ =	swait.ge [sflag:s5], $0x4000  }
0x88: {  	[sflag:s5] =	ssyncset.done $0x0  }
0x89: {  	[sflag:s5] =	ssyncadd.s32 $0xFFFFC000  }
0x8a: {  	[tilespmem:s6], [sflag:$0x11] =	stream.indirect.gather.add.f32 [spmem:s1], $0x80, s24, s4, $0xb8;
	[tilespmem:$0x12980] =	vst v63  }
0x8b: {  	_ =	swait.ge [sflag:s5], $0x4000  }
0x8c: {  	[sflag:s5] =	ssyncset.done $0x0;
	s12 =	rddreg [dreg:$0x14]  }
0x8d: {  	[sflag:s5] =	ssyncadd.s32 $0xFFFFC000;
	s13 =	sadd.s32 s23, s12  }
0x8e: {  	[hbm4b:s13+s2] =	stream.linear.scatter [tilespmem:s6], [sflag:$0xF], $0x4000, $0x38;
	[tilespmem:$0x12980] =	vst v63  }
0x8f: {  	p1 =	seq.s32 s23, $0x62000;
	_ =	swait.ge [sflag:s17], $0x4000  }
0x90: {  	s30 =	sadd.s32 @!p1 s23, s11;
	s7 =	simm.s32 @!p1 $0x0;
	[sflag:s17] =	ssyncset.done $0x0  }
0x91: {  	s30 =	sadd.s32 @!p1 $0x2000, s30;
	s8 =	simm.s32 @!p1 $0x2580;
	[sflag:s17] =	ssyncadd.s32 $0xFFFFC000  }
0x92: {  	[tilespmem:s8], [sflag:$0x1] =	stream.linear.gather @!p1 [hbm4b:s30+s7], $0x4000, $0x38;
	[tilespmem:$0x12980] =	vst v63  }
0x93: {  	s8 =	rddreg [dreg:$0x10]  }
0x94: {  	s30 =	simm.s32 @!p1 $0x12580;
	s8 =	sadd.s32 @!p1 s22, s8  }
0x95: {  	[tilespmem:s30], [sflag:$0x5] =	stream.linear.gather @!p1 [hbm4b:s8+s7], $0x80, $0x38;
	[tilespmem:$0x12980] =	vst v63  }
0x96: {  	s8 =	rddreg [dreg:$0xf]  }
0x97: {  	s30 =	simm.s32 @!p1 $0x12780;
	s8 =	sadd.s32 @!p1 s22, s8  }
0x98: {  	[tilespmem:s30], [sflag:$0x9] =	stream.linear.gather @!p1 [hbm4b:s8+s7], $0x80, $0x38;
	[tilespmem:$0x12980] =	vst v63  }
0x99: {  	_ =	swait.ge [sflag:s18], $0x4000  }
0x9a: {  	[sflag:s18] =	ssyncset.done $0x0  }
0x9b: {  	[sflag:s18] =	ssyncadd.s32 $0xFFFFC000  }
0x9c: {  	_ =	swait.ge [sflag:s19], $0x80  }
0x9d: {  	[sflag:s19] =	ssyncset.done $0x0  }
0x9e: {  	[sflag:s19] =	ssyncadd.s32 $0xFFFFFF80  }
0x9f: {  	_ =	swait.ge [sflag:s20], $0x80  }
0xa0: {  	[sflag:s20] =	ssyncset.done $0x0  }
0xa1: {  	[sflag:s20] =	ssyncadd.s32 $0xFFFFFF80  }
0xa2: {  	[tilespmem:s26], [sflag:$0x11] =	stream.indirect.gather.add.f32 [spmem:s1], $0x80, s0, s4, $0xb8;
	[tilespmem:$0x12980] =	vst v63  }
0xa3: {  	_ =	swait.ge [sflag:s5], $0x4000  }
0xa4: {  	[sflag:s5] =	ssyncset.done $0x0  }
0xa5: {  	[sflag:s5] =	ssyncadd.s32 $0xFFFFC000  }
0xa6: {  	[tilespmem:s26], [sflag:$0x11] =	stream.indirect.gather.add.f32 [spmem:s1], $0x80, s3, s4, $0xb8;
	[tilespmem:$0x12980] =	vst v63  }
0xa7: {  	_ =	swait.ge [sflag:s5], $0x4000  }
0xa8: {  	[sflag:s5] =	ssyncset.done $0x0;
	s30 =	rddreg [dreg:$0x13]  }
.Ltmp2:
0xa9: {  	[sflag:s5] =	ssyncadd.s32 $0xFFFFC000;
	s7 =	sadd.s32 s23, s30;
	(pc) =	sbr.rel @p1 .LBB2_4-.Ltmp2, $4  }
0xaa: {  	[hbm4b:s7+s2] =	stream.linear.scatter [tilespmem:s26], [sflag:$0x10], $0x4000, $0x38;
	[tilespmem:$0x12980] =	vst v63  }
0xab: {  	_ =	swait.ge [sflag:s21], $0x4000  }
0xac: {  	s31 =	simm.s32 $0x2580;
	[sflag:s21] =	ssyncset.done $0x0  }
0xad: {  	s12 =	simm.s32 $0x12600;
	s13 =	simm.s32 $0x12800;
	[sflag:s21] =	ssyncadd.s32 $0xFFFFC000  }
0xae: {  	s7 =	sadd.s32 $0x2800, s29;
	s30 =	rddreg [dreg:$0xe]  }
0xaf: {  	[tilespmem:s28], [sflag:$0x2] =	stream.linear.gather [hbm4b:s7+s2], $0x4000, $0x38;
	[tilespmem:$0x12980] =	vst v63  }
.Ltmp3:
0xb0: {  	s31 =	rddreg [dreg:$0xd];
	(pc) =	sbr.rel .LBB2_2-.Ltmp3, $4  }
0xb1: {  	s23 =	sadd.s32 $0x2000, s23;
	s8 =	simm.s32 $0x12600;
	s7 =	sadd.s32 s22, s30  }
0xb2: {  	[tilespmem:s12], [sflag:$0x6] =	stream.linear.gather [hbm4b:s7+s2], $0x80, $0x38;
	[tilespmem:$0x12980] =	vst v63  }
0xb3: {  	s7 =	sadd.s32 s22, s31;
	s22 =	sadd.s32 $0x40, s22;
	s12 =	simm.s32 $0x12800  }
0xb4: {  	[tilespmem:s13], [sflag:$0xA] =	stream.linear.gather [hbm4b:s7+s2], $0x80, $0x38;
	[tilespmem:$0x12980] =	vst v63  }
.LBB2_5:
0xb5: {  	_ =	sfence.sel $0x180000  }
0xb6: {  	[bflag:$0x0] =	sbarrier.arrive $0xFFFF  }
0xb7: {  	_ =	strace $0x90000047  }
0xb8: {  	[bflag:$0x2] =	sbarrier.arrive $0xFFFF  }
0xb9: {  	s0 =	rddreg [dreg:$0x4]  }
0xba: {  	s0 =	sadd.s32 @!p0 $0x100000, s0  }
0xbb: {  	[sflag:s0] =	ssyncadd.tile.s32 @!p0 $0x1;
	_ =	shalt  }
.Lfunc_end2:
_tile_overlayer_lowered:
.L_overlay_start_2:
0xbc: {  	(tag) =	ssettag $0x2  }
0xbd: {  	s0 =	rddreg [dreg:$0x0];
	s2 =	stileid.u32  }
0xbe: {  	s1 =	rddreg [dreg:$0x1];
	p0 =	sne.s32 s2, $0x0  }
0xbf: {  	s3 =	rddreg [dreg:$0x2];
	[bflag:$0x3] =	sbarrier.arrive $0xFFFF;
	s2 =	simm.s32 @!p0 $0x1C11  }
0xc0: {  	[timem:s3], [sflag:s2] =	dma.local @!p0 [hbm:s0], s1  }
0xc1: {  	s0 =	simm.s32 @!p0 $0x11  }
0xc2: {  	_ =	swait.ge @!p0 [sflag:s0], s1  }
0xc3: {  	s1 =	ssub.s32 @!p0 $0x0, s1;
	[sflag:s0] =	ssyncset.done @!p0 $0x0  }
0xc4: {  	[sflag:s0] =	ssyncadd.s32 @!p0 s1  }
0xc5: {  	[bflag:$0x3] =	sbarrier.arrive $0xFFFF  }
0xc6: {  	_ =	shalt  }

</sc_bundles>
